<compile_context>
chip_gen: v7x
topology: tpu7x:2x2x1
jax: 0.10.2.dev20260603
libtpu: 0.0.44.dev20260713+nightly
codegen_flags: <defaults>
</compile_context>

<pallas_src>
import functools

import jax
import jax.numpy as jnp
from jax import lax
from jax.experimental import pallas as pl
from jax.experimental.pallas import tpu as pltpu
from jax.experimental.pallas import tpu_sc as plsc

BATCH = 32
SEQ = 512
HIDDEN = 896
NTOK = BATCH * SEQ
NC = 2
NS = 16
NW = NC * NS
TOK_PER_W = NTOK // NW
CHUNK = 32
NCHUNK = TOK_PER_W // CHUNK
NBUF = 4

_mesh = plsc.VectorSubcoreMesh(core_axis_name="c", subcore_axis_name="s")


@functools.partial(
    pl.kernel,
    mesh=_mesh,
    out_type=jax.ShapeDtypeStruct((BATCH, SEQ, HIDDEN), jnp.float32),
    scratch_types=[
        pltpu.VMEM((TOK_PER_W,), jnp.int32),
        pltpu.VMEM((NBUF, CHUNK, HIDDEN), jnp.float32),
    ]
    + [pltpu.SemaphoreType.DMA] * (2 * NBUF),
)
def _embed_lookup(idx_hbm, tab_hbm, out_hbm, idx_v, rows_v, *sems):
    wid = lax.axis_index("s") * NC + lax.axis_index("c")
    pltpu.sync_copy(idx_hbm.at[wid], idx_v)

    gsems = sems[:NBUF]
    wsems = sems[NBUF:2 * NBUF]
    gathers = [None] * NBUF
    writes = [None] * NBUF

    def start_gather(c):
        s = c % NBUF
        gathers[s] = pltpu.async_copy(
            tab_hbm.at[idx_v.at[pl.ds(c * CHUNK, CHUNK)]], rows_v.at[s], gsems[s]
        )

    for c in range(min(NBUF, NCHUNK)):
        start_gather(c)
    for c in range(NCHUNK):
        s = c % NBUF
        gathers[s].wait()
        writes[s] = pltpu.async_copy(
            rows_v.at[s], out_hbm.at[wid, pl.ds(c * CHUNK, CHUNK)], wsems[s]
        )
        if c + NBUF < NCHUNK:
            writes[s].wait()
            start_gather(c + NBUF)
    for w in writes:
        if w is not None:
            w.wait()


def kernel(x, embed_table):
    return _embed_lookup(x.astype(jnp.int32), embed_table)

# --- scband reference (transcript-rebuilt; emitter-appended) ---
"""Pipeline reference for scband-pipeline-embedding-13950053777992 (READ-ONLY COPY).

The authoritative reference and input builder live on the scoring server;
editing this copy changes nothing except your own understanding.
"""

import jax, jax.numpy as jnp
import numpy as np

VOCAB_SIZE = 151936
HIDDEN_SIZE = 896
BATCH = 32
SEQ = 512

def setup_inputs(seed: int = 0) -> dict:
    key = jax.random.key(seed)
    k_idx, k_tab = jax.random.split(key)
    x = jax.random.randint(k_idx, (BATCH, SEQ), 0, VOCAB_SIZE, dtype=jnp.int64 if jax.config.jax_enable_x64 else jnp.int32)
    embed_table = jax.random.normal(k_tab, (VOCAB_SIZE, HIDDEN_SIZE), dtype=jnp.float32) * 0.02
    return {"x": x, "embed_table": embed_table}

def reference(x, embed_table):
    # PipelineEmbedding.forward: tuple-unwrap and dim-expand are no-ops here
    input_ids = x
    if input_ids.ndim == 1:
        input_ids = input_ids[None, :]
    embeddings = jnp.take(embed_table, input_ids, axis=0)
    return embeddings

if __name__ == "__main__":
    import jax
    _d = setup_inputs()
    print(jax.jit(kernel)(*tuple(_d.values())))

</pallas_src>

<mosaic_0001>
#map = affine_map<(d0, d1) -> (0, 0)>
#map1 = affine_map<(d0, d1) -> (0, 0, 0)>
module attributes {stable_mosaic.version = 14 : i64} {
  func.func @_embed_lookup(%arg0: i32, %arg1: i32, %arg2: memref<32x512xi32, #tpu.memory_space<hbm>>, %arg3: memref<151936x896xf32, #tpu.memory_space<hbm>>, %arg4: memref<32x512x896xf32, #tpu.memory_space<hbm>>, %arg5: memref<512xi32, #tpu.memory_space<vmem>>, %arg6: memref<4x32x896xf32, #tpu.memory_space<vmem>>, %arg7: memref<!tpu.dma_semaphore, #tpu.memory_space<semaphore_mem>>, %arg8: memref<!tpu.dma_semaphore, #tpu.memory_space<semaphore_mem>>, %arg9: memref<!tpu.dma_semaphore, #tpu.memory_space<semaphore_mem>>, %arg10: memref<!tpu.dma_semaphore, #tpu.memory_space<semaphore_mem>>, %arg11: memref<!tpu.dma_semaphore, #tpu.memory_space<semaphore_mem>>, %arg12: memref<!tpu.dma_semaphore, #tpu.memory_space<semaphore_mem>>, %arg13: memref<!tpu.dma_semaphore, #tpu.memory_space<semaphore_mem>>, %arg14: memref<!tpu.dma_semaphore, #tpu.memory_space<semaphore_mem>>) attributes {dimension_semantics = [#tpu.dimension_semantics<core_parallel>, #tpu.dimension_semantics<subcore_parallel>], iteration_bounds = array<i64: 2, 16>, scalar_prefetch = 0 : i64, scratch_operands = 10 : i64, tpu.core_type = #tpu.core_type<sc_vector_subcore>, window_params = [{transform_indices = #map}, {transform_indices = #map}, {transform_indices = #map1}]} {
    %mul3A = arith.constant 2 : i32
    %mul3A_0 = arith.muli %arg1, %mul3A : i32
    %add3A = arith.addi %mul3A_0, %arg0 : i32
    "tpu.region"() ({
      %run_scoped3A = tpu.sem_alloc : memref<!tpu.dma_semaphore, #tpu.memory_space<semaphore_mem>>
      %dma_start3A_863 = arith.constant 0 : i32
      %dma_start3A_864 = tpu.memref_slice %arg2[%add3A, %dma_start3A_863] : memref<32x512xi32, #tpu.memory_space<hbm>> -> memref<1x512xi32, #tpu.memory_space<hbm>>
      %dma_start3A_865 = tpu.memref_squeeze %dma_start3A_864 : memref<1x512xi32, #tpu.memory_space<hbm>> -> memref<512xi32, #tpu.memory_space<hbm>>
      %dma_start3A_866 = arith.constant 0 : i32
      %dma_start3A_867 = tpu.memref_slice %arg2[%add3A, %dma_start3A_866] : memref<32x512xi32, #tpu.memory_space<hbm>> -> memref<1x512xi32, #tpu.memory_space<hbm>>
      %dma_start3A_868 = tpu.memref_squeeze %dma_start3A_867 : memref<1x512xi32, #tpu.memory_space<hbm>> -> memref<512xi32, #tpu.memory_space<hbm>>
      tpu.enqueue_dma source(%dma_start3A_868 : memref<512xi32, #tpu.memory_space<hbm>>) target(%arg5 : memref<512xi32, #tpu.memory_space<vmem>>) target_semaphore(%run_scoped3A : memref<!tpu.dma_semaphore, #tpu.memory_space<semaphore_mem>>)
      %dma_wait3A_869 = arith.constant 0 : i32
      %dma_wait3A_870 = tpu.memref_slice %arg2[%add3A, %dma_wait3A_869] : memref<32x512xi32, #tpu.memory_space<hbm>> -> memref<1x512xi32, #tpu.memory_space<hbm>>
      %dma_wait3A_871 = tpu.memref_squeeze %dma_wait3A_870 : memref<1x512xi32, #tpu.memory_space<hbm>> -> memref<512xi32, #tpu.memory_space<hbm>>
      %dma_wait3A_872 = arith.constant 0 : i32
      %dma_wait3A_873 = tpu.memref_slice %arg2[%add3A, %dma_wait3A_872] : memref<32x512xi32, #tpu.memory_space<hbm>> -> memref<1x512xi32, #tpu.memory_space<hbm>>
      %dma_wait3A_874 = tpu.memref_squeeze %dma_wait3A_873 : memref<1x512xi32, #tpu.memory_space<hbm>> -> memref<512xi32, #tpu.memory_space<hbm>>
      tpu.wait_dma2 semaphore(%run_scoped3A : memref<!tpu.dma_semaphore, #tpu.memory_space<semaphore_mem>>) src(%dma_wait3A_874 : memref<512xi32, #tpu.memory_space<hbm>>) dst(%arg5 : memref<512xi32, #tpu.memory_space<vmem>>)
      tpu.yield
    }) : () -> ()
    %dma_start3A = arith.constant 0 : i32
    %dma_start3A_1 = arith.constant 0 : i32
    %dma_start3A_2 = arith.constant 0 : i32
    %dma_start3A_3 = tpu.memref_slice %arg6[%dma_start3A, %dma_start3A_1, %dma_start3A_2] : memref<4x32x896xf32, #tpu.memory_space<vmem>> -> memref<1x32x896xf32, #tpu.memory_space<vmem>>
    %dma_start3A_4 = tpu.memref_squeeze %dma_start3A_3 : memref<1x32x896xf32, #tpu.memory_space<vmem>> -> memref<32x896xf32, #tpu.memory_space<vmem>>
    %dma_start3A_5 = arith.constant 0 : i32
    %dma_start3A_6 = tpu.memref_slice %arg5[%dma_start3A_5] : memref<512xi32, #tpu.memory_space<vmem>> -> memref<32xi32, #tpu.memory_space<vmem>>
    %dma_start3A_7 = arith.constant 0 : i32
    %dma_start3A_8 = arith.constant 0 : i32
    %dma_start3A_9 = tpu.memref_slice %arg3[%dma_start3A_7, %dma_start3A_8] : memref<151936x896xf32, #tpu.memory_space<hbm>> -> memref<151936x896xf32, #tpu.memory_space<hbm>>
    tpu.enqueue_indirect_dma source(%dma_start3A_9 : memref<151936x896xf32, #tpu.memory_space<hbm>>) target(%dma_start3A_4 : memref<32x896xf32, #tpu.memory_space<vmem>>) offsets(%dma_start3A_6 : memref<32xi32, #tpu.memory_space<vmem>>) semaphore(%arg7 : memref<!tpu.dma_semaphore, #tpu.memory_space<semaphore_mem>>)
    %dma_start3A_10 = arith.constant 1 : i32
    %dma_start3A_11 = arith.constant 0 : i32
    %dma_start3A_12 = arith.constant 0 : i32
    %dma_start3A_13 = tpu.memref_slice %arg6[%dma_start3A_10, %dma_start3A_11, %dma_start3A_12] : memref<4x32x896xf32, #tpu.memory_space<vmem>> -> memref<1x32x896xf32, #tpu.memory_space<vmem>>
    %dma_start3A_14 = tpu.memref_squeeze %dma_start3A_13 : memref<1x32x896xf32, #tpu.memory_space<vmem>> -> memref<32x896xf32, #tpu.memory_space<vmem>>
    %dma_start3A_15 = arith.constant 32 : i32
    %dma_start3A_16 = tpu.memref_slice %arg5[%dma_start3A_15] : memref<512xi32, #tpu.memory_space<vmem>> -> memref<32xi32, #tpu.memory_space<vmem>>
    %dma_start3A_17 = arith.constant 0 : i32
    %dma_start3A_18 = arith.constant 0 : i32
    %dma_start3A_19 = tpu.memref_slice %arg3[%dma_start3A_17, %dma_start3A_18] : memref<151936x896xf32, #tpu.memory_space<hbm>> -> memref<151936x896xf32, #tpu.memory_space<hbm>>
    tpu.enqueue_indirect_dma source(%dma_start3A_19 : memref<151936x896xf32, #tpu.memory_space<hbm>>) target(%dma_start3A_14 : memref<32x896xf32, #tpu.memory_space<vmem>>) offsets(%dma_start3A_16 : memref<32xi32, #tpu.memory_space<vmem>>) semaphore(%arg8 : memref<!tpu.dma_semaphore, #tpu.memory_space<semaphore_mem>>)
    %dma_start3A_20 = arith.constant 2 : i32
    %dma_start3A_21 = arith.constant 0 : i32
    %dma_start3A_22 = arith.constant 0 : i32
    %dma_start3A_23 = tpu.memref_slice %arg6[%dma_start3A_20, %dma_start3A_21, %dma_start3A_22] : memref<4x32x896xf32, #tpu.memory_space<vmem>> -> memref<1x32x896xf32, #tpu.memory_space<vmem>>
    %dma_start3A_24 = tpu.memref_squeeze %dma_start3A_23 : memref<1x32x896xf32, #tpu.memory_space<vmem>> -> memref<32x896xf32, #tpu.memory_space<vmem>>
    %dma_start3A_25 = arith.constant 64 : i32
    %dma_start3A_26 = tpu.memref_slice %arg5[%dma_start3A_25] : memref<512xi32, #tpu.memory_space<vmem>> -> memref<32xi32, #tpu.memory_space<vmem>>
    %dma_start3A_27 = arith.constant 0 : i32
    %dma_start3A_28 = arith.constant 0 : i32
    %dma_start3A_29 = tpu.memref_slice %arg3[%dma_start3A_27, %dma_start3A_28] : memref<151936x896xf32, #tpu.memory_space<hbm>> -> memref<151936x896xf32, #tpu.memory_space<hbm>>
    tpu.enqueue_indirect_dma source(%dma_start3A_29 : memref<151936x896xf32, #tpu.memory_space<hbm>>) target(%dma_start3A_24 : memref<32x896xf32, #tpu.memory_space<vmem>>) offsets(%dma_start3A_26 : memref<32xi32, #tpu.memory_space<vmem>>) semaphore(%arg9 : memref<!tpu.dma_semaphore, #tpu.memory_space<semaphore_mem>>)
    %dma_start3A_30 = arith.constant 3 : i32
    %dma_start3A_31 = arith.constant 0 : i32
    %dma_start3A_32 = arith.constant 0 : i32
    %dma_start3A_33 = tpu.memref_slice %arg6[%dma_start3A_30, %dma_start3A_31, %dma_start3A_32] : memref<4x32x896xf32, #tpu.memory_space<vmem>> -> memref<1x32x896xf32, #tpu.memory_space<vmem>>
    %dma_start3A_34 = tpu.memref_squeeze %dma_start3A_33 : memref<1x32x896xf32, #tpu.memory_space<vmem>> -> memref<32x896xf32, #tpu.memory_space<vmem>>
    %dma_start3A_35 = arith.constant 96 : i32
    %dma_start3A_36 = tpu.memref_slice %arg5[%dma_start3A_35] : memref<512xi32, #tpu.memory_space<vmem>> -> memref<32xi32, #tpu.memory_space<vmem>>
    %dma_start3A_37 = arith.constant 0 : i32
    %dma_start3A_38 = arith.constant 0 : i32
    %dma_start3A_39 = tpu.memref_slice %arg3[%dma_start3A_37, %dma_start3A_38] : memref<151936x896xf32, #tpu.memory_space<hbm>> -> memref<151936x896xf32, #tpu.memory_space<hbm>>
    tpu.enqueue_indirect_dma source(%dma_start3A_39 : memref<151936x896xf32, #tpu.memory_space<hbm>>) target(%dma_start3A_34 : memref<32x896xf32, #tpu.memory_space<vmem>>) offsets(%dma_start3A_36 : memref<32xi32, #tpu.memory_space<vmem>>) semaphore(%arg10 : memref<!tpu.dma_semaphore, #tpu.memory_space<semaphore_mem>>)
    %dma_wait3A = arith.constant 0 : i32
    %dma_wait3A_40 = arith.constant 0 : i32
    %dma_wait3A_41 = arith.constant 0 : i32
    %dma_wait3A_42 = tpu.memref_slice %arg6[%dma_wait3A, %dma_wait3A_40, %dma_wait3A_41] : memref<4x32x896xf32, #tpu.memory_space<vmem>> -> memref<1x32x896xf32, #tpu.memory_space<vmem>>
    %dma_wait3A_43 = tpu.memref_squeeze %dma_wait3A_42 : memref<1x32x896xf32, #tpu.memory_space<vmem>> -> memref<32x896xf32, #tpu.memory_space<vmem>>
    %dma_wait3A_44 = arith.constant 0 : i32
    %dma_wait3A_45 = tpu.memref_slice %arg5[%dma_wait3A_44] : memref<512xi32, #tpu.memory_space<vmem>> -> memref<32xi32, #tpu.memory_space<vmem>>
    %dma_wait3A_46 = arith.constant 0 : i32
    %dma_wait3A_47 = arith.constant 0 : i32
    %dma_wait3A_48 = tpu.memref_slice %arg3[%dma_wait3A_46, %dma_wait3A_47] : memref<151936x896xf32, #tpu.memory_space<hbm>> -> memref<151936x896xf32, #tpu.memory_space<hbm>>
    tpu.wait_indirect_dma semaphore(%arg7 : memref<!tpu.dma_semaphore, #tpu.memory_space<semaphore_mem>>) src(%dma_wait3A_48 : memref<151936x896xf32, #tpu.memory_space<hbm>>) dst(%dma_wait3A_43 : memref<32x896xf32, #tpu.memory_space<vmem>>)
    %dma_start3A_49 = arith.constant 0 : i32
    %dma_start3A_50 = arith.constant 0 : i32
    %dma_start3A_51 = arith.constant 0 : i32
    %dma_start3A_52 = tpu.memref_slice %arg6[%dma_start3A_49, %dma_start3A_50, %dma_start3A_51] : memref<4x32x896xf32, #tpu.memory_space<vmem>> -> memref<1x32x896xf32, #tpu.memory_space<vmem>>
    %dma_start3A_53 = tpu.memref_squeeze %dma_start3A_52 : memref<1x32x896xf32, #tpu.memory_space<vmem>> -> memref<32x896xf32, #tpu.memory_space<vmem>>
    %dma_start3A_54 = arith.constant 0 : i32
    %dma_start3A_55 = arith.constant 0 : i32
    %dma_start3A_56 = tpu.memref_slice %arg4[%add3A, %dma_start3A_54, %dma_start3A_55] : memref<32x512x896xf32, #tpu.memory_space<hbm>> -> memref<1x32x896xf32, #tpu.memory_space<hbm>>
    %dma_start3A_57 = tpu.memref_squeeze %dma_start3A_56 : memref<1x32x896xf32, #tpu.memory_space<hbm>> -> memref<32x896xf32, #tpu.memory_space<hbm>>
    %dma_start3A_58 = arith.constant 0 : i32
    %dma_start3A_59 = arith.constant 0 : i32
    %dma_start3A_60 = tpu.memref_slice %arg4[%add3A, %dma_start3A_58, %dma_start3A_59] : memref<32x512x896xf32, #tpu.memory_space<hbm>> -> memref<1x32x896xf32, #tpu.memory_space<hbm>>
    %dma_start3A_61 = tpu.memref_squeeze %dma_start3A_60 : memref<1x32x896xf32, #tpu.memory_space<hbm>> -> memref<32x896xf32, #tpu.memory_space<hbm>>
    %dma_start3A_62 = arith.constant 0 : i32
    %dma_start3A_63 = arith.constant 0 : i32
    %dma_start3A_64 = tpu.memref_slice %arg6[%dma_start3A_49, %dma_start3A_62, %dma_start3A_63] : memref<4x32x896xf32, #tpu.memory_space<vmem>> -> memref<1x32x896xf32, #tpu.memory_space<vmem>>
    %dma_start3A_65 = tpu.memref_squeeze %dma_start3A_64 : memref<1x32x896xf32, #tpu.memory_space<vmem>> -> memref<32x896xf32, #tpu.memory_space<vmem>>
    tpu.enqueue_dma source(%dma_start3A_65 : memref<32x896xf32, #tpu.memory_space<vmem>>) target(%dma_start3A_61 : memref<32x896xf32, #tpu.memory_space<hbm>>) target_semaphore(%arg11 : memref<!tpu.dma_semaphore, #tpu.memory_space<semaphore_mem>>)
    %dma_wait3A_66 = arith.constant 0 : i32
    %dma_wait3A_67 = arith.constant 0 : i32
    %dma_wait3A_68 = arith.constant 0 : i32
    %dma_wait3A_69 = tpu.memref_slice %arg6[%dma_wait3A_66, %dma_wait3A_67, %dma_wait3A_68] : memref<4x32x896xf32, #tpu.memory_space<vmem>> -> memref<1x32x896xf32, #tpu.memory_space<vmem>>
    %dma_wait3A_70 = tpu.memref_squeeze %dma_wait3A_69 : memref<1x32x896xf32, #tpu.memory_space<vmem>> -> memref<32x896xf32, #tpu.memory_space<vmem>>
    %dma_wait3A_71 = arith.constant 0 : i32
    %dma_wait3A_72 = arith.constant 0 : i32
    %dma_wait3A_73 = tpu.memref_slice %arg4[%add3A, %dma_wait3A_71, %dma_wait3A_72] : memref<32x512x896xf32, #tpu.memory_space<hbm>> -> memref<1x32x896xf32, #tpu.memory_space<hbm>>
    %dma_wait3A_74 = tpu.memref_squeeze %dma_wait3A_73 : memref<1x32x896xf32, #tpu.memory_space<hbm>> -> memref<32x896xf32, #tpu.memory_space<hbm>>
    %dma_wait3A_75 = arith.constant 0 : i32
    %dma_wait3A_76 = arith.constant 0 : i32
    %dma_wait3A_77 = tpu.memref_slice %arg4[%add3A, %dma_wait3A_75, %dma_wait3A_76] : memref<32x512x896xf32, #tpu.memory_space<hbm>> -> memref<1x32x896xf32, #tpu.memory_space<hbm>>
    %dma_wait3A_78 = tpu.memref_squeeze %dma_wait3A_77 : memref<1x32x896xf32, #tpu.memory_space<hbm>> -> memref<32x896xf32, #tpu.memory_space<hbm>>
    %dma_wait3A_79 = arith.constant 0 : i32
    %dma_wait3A_80 = arith.constant 0 : i32
    %dma_wait3A_81 = tpu.memref_slice %arg6[%dma_wait3A_66, %dma_wait3A_79, %dma_wait3A_80] : memref<4x32x896xf32, #tpu.memory_space<vmem>> -> memref<1x32x896xf32, #tpu.memory_space<vmem>>
    %dma_wait3A_82 = tpu.memref_squeeze %dma_wait3A_81 : memref<1x32x896xf32, #tpu.memory_space<vmem>> -> memref<32x896xf32, #tpu.memory_space<vmem>>
    tpu.wait_dma2 semaphore(%arg11 : memref<!tpu.dma_semaphore, #tpu.memory_space<semaphore_mem>>) src(%dma_wait3A_82 : memref<32x896xf32, #tpu.memory_space<vmem>>) dst(%dma_wait3A_78 : memref<32x896xf32, #tpu.memory_space<hbm>>)
    %dma_start3A_83 = arith.constant 0 : i32
    %dma_start3A_84 = arith.constant 0 : i32
    %dma_start3A_85 = arith.constant 0 : i32
    %dma_start3A_86 = tpu.memref_slice %arg6[%dma_start3A_83, %dma_start3A_84, %dma_start3A_85] : memref<4x32x896xf32, #tpu.memory_space<vmem>> -> memref<1x32x896xf32, #tpu.memory_space<vmem>>
    %dma_start3A_87 = tpu.memref_squeeze %dma_start3A_86 : memref<1x32x896xf32, #tpu.memory_space<vmem>> -> memref<32x896xf32, #tpu.memory_space<vmem>>
    %dma_start3A_88 = arith.constant 128 : i32
    %dma_start3A_89 = tpu.memref_slice %arg5[%dma_start3A_88] : memref<512xi32, #tpu.memory_space<vmem>> -> memref<32xi32, #tpu.memory_space<vmem>>
    %dma_start3A_90 = arith.constant 0 : i32
    %dma_start3A_91 = arith.constant 0 : i32
    %dma_start3A_92 = tpu.memref_slice %arg3[%dma_start3A_90, %dma_start3A_91] : memref<151936x896xf32, #tpu.memory_space<hbm>> -> memref<151936x896xf32, #tpu.memory_space<hbm>>
    tpu.enqueue_indirect_dma source(%dma_start3A_92 : memref<151936x896xf32, #tpu.memory_space<hbm>>) target(%dma_start3A_87 : memref<32x896xf32, #tpu.memory_space<vmem>>) offsets(%dma_start3A_89 : memref<32xi32, #tpu.memory_space<vmem>>) semaphore(%arg7 : memref<!tpu.dma_semaphore, #tpu.memory_space<semaphore_mem>>)
    %dma_wait3A_93 = arith.constant 1 : i32
    %dma_wait3A_94 = arith.constant 0 : i32
    %dma_wait3A_95 = arith.constant 0 : i32
    %dma_wait3A_96 = tpu.memref_slice %arg6[%dma_wait3A_93, %dma_wait3A_94, %dma_wait3A_95] : memref<4x32x896xf32, #tpu.memory_space<vmem>> -> memref<1x32x896xf32, #tpu.memory_space<vmem>>
    %dma_wait3A_97 = tpu.memref_squeeze %dma_wait3A_96 : memref<1x32x896xf32, #tpu.memory_space<vmem>> -> memref<32x896xf32, #tpu.memory_space<vmem>>
    %dma_wait3A_98 = arith.constant 32 : i32
    %dma_wait3A_99 = tpu.memref_slice %arg5[%dma_wait3A_98] : memref<512xi32, #tpu.memory_space<vmem>> -> memref<32xi32, #tpu.memory_space<vmem>>
    %dma_wait3A_100 = arith.constant 0 : i32
    %dma_wait3A_101 = arith.constant 0 : i32
    %dma_wait3A_102 = tpu.memref_slice %arg3[%dma_wait3A_100, %dma_wait3A_101] : memref<151936x896xf32, #tpu.memory_space<hbm>> -> memref<151936x896xf32, #tpu.memory_space<hbm>>
    tpu.wait_indirect_dma semaphore(%arg8 : memref<!tpu.dma_semaphore, #tpu.memory_space<semaphore_mem>>) src(%dma_wait3A_102 : memref<151936x896xf32, #tpu.memory_space<hbm>>) dst(%dma_wait3A_97 : memref<32x896xf32, #tpu.memory_space<vmem>>)
    %dma_start3A_103 = arith.constant 1 : i32
    %dma_start3A_104 = arith.constant 0 : i32
    %dma_start3A_105 = arith.constant 0 : i32
    %dma_start3A_106 = tpu.memref_slice %arg6[%dma_start3A_103, %dma_start3A_104, %dma_start3A_105] : memref<4x32x896xf32, #tpu.memory_space<vmem>> -> memref<1x32x896xf32, #tpu.memory_space<vmem>>
    %dma_start3A_107 = tpu.memref_squeeze %dma_start3A_106 : memref<1x32x896xf32, #tpu.memory_space<vmem>> -> memref<32x896xf32, #tpu.memory_space<vmem>>
    %dma_start3A_108 = arith.constant 32 : i32
    %dma_start3A_109 = arith.constant 0 : i32
    %dma_start3A_110 = tpu.memref_slice %arg4[%add3A, %dma_start3A_108, %dma_start3A_109] : memref<32x512x896xf32, #tpu.memory_space<hbm>> -> memref<1x32x896xf32, #tpu.memory_space<hbm>>
    %dma_start3A_111 = tpu.memref_squeeze %dma_start3A_110 : memref<1x32x896xf32, #tpu.memory_space<hbm>> -> memref<32x896xf32, #tpu.memory_space<hbm>>
    %dma_start3A_112 = arith.constant 32 : i32
    %dma_start3A_113 = arith.constant 0 : i32
    %dma_start3A_114 = tpu.memref_slice %arg4[%add3A, %dma_start3A_112, %dma_start3A_113] : memref<32x512x896xf32, #tpu.memory_space<hbm>> -> memref<1x32x896xf32, #tpu.memory_space<hbm>>
    %dma_start3A_115 = tpu.memref_squeeze %dma_start3A_114 : memref<1x32x896xf32, #tpu.memory_space<hbm>> -> memref<32x896xf32, #tpu.memory_space<hbm>>
    %dma_start3A_116 = arith.constant 0 : i32
    %dma_start3A_117 = arith.constant 0 : i32
    %dma_start3A_118 = tpu.memref_slice %arg6[%dma_start3A_103, %dma_start3A_116, %dma_start3A_117] : memref<4x32x896xf32, #tpu.memory_space<vmem>> -> memref<1x32x896xf32, #tpu.memory_space<vmem>>
    %dma_start3A_119 = tpu.memref_squeeze %dma_start3A_118 : memref<1x32x896xf32, #tpu.memory_space<vmem>> -> memref<32x896xf32, #tpu.memory_space<vmem>>
    tpu.enqueue_dma source(%dma_start3A_119 : memref<32x896xf32, #tpu.memory_space<vmem>>) target(%dma_start3A_115 : memref<32x896xf32, #tpu.memory_space<hbm>>) target_semaphore(%arg12 : memref<!tpu.dma_semaphore, #tpu.memory_space<semaphore_mem>>)
    %dma_wait3A_120 = arith.constant 1 : i32
    %dma_wait3A_121 = arith.constant 0 : i32
    %dma_wait3A_122 = arith.constant 0 : i32
    %dma_wait3A_123 = tpu.memref_slice %arg6[%dma_wait3A_120, %dma_wait3A_121, %dma_wait3A_122] : memref<4x32x896xf32, #tpu.memory_space<vmem>> -> memref<1x32x896xf32, #tpu.memory_space<vmem>>
    %dma_wait3A_124 = tpu.memref_squeeze %dma_wait3A_123 : memref<1x32x896xf32, #tpu.memory_space<vmem>> -> memref<32x896xf32, #tpu.memory_space<vmem>>
    %dma_wait3A_125 = arith.constant 32 : i32
    %dma_wait3A_126 = arith.constant 0 : i32
    %dma_wait3A_127 = tpu.memref_slice %arg4[%add3A, %dma_wait3A_125, %dma_wait3A_126] : memref<32x512x896xf32, #tpu.memory_space<hbm>> -> memref<1x32x896xf32, #tpu.memory_space<hbm>>
    %dma_wait3A_128 = tpu.memref_squeeze %dma_wait3A_127 : memref<1x32x896xf32, #tpu.memory_space<hbm>> -> memref<32x896xf32, #tpu.memory_space<hbm>>
    %dma_wait3A_129 = arith.constant 32 : i32
    %dma_wait3A_130 = arith.constant 0 : i32
    %dma_wait3A_131 = tpu.memref_slice %arg4[%add3A, %dma_wait3A_129, %dma_wait3A_130] : memref<32x512x896xf32, #tpu.memory_space<hbm>> -> memref<1x32x896xf32, #tpu.memory_space<hbm>>
    %dma_wait3A_132 = tpu.memref_squeeze %dma_wait3A_131 : memref<1x32x896xf32, #tpu.memory_space<hbm>> -> memref<32x896xf32, #tpu.memory_space<hbm>>
    %dma_wait3A_133 = arith.constant 0 : i32
    %dma_wait3A_134 = arith.constant 0 : i32
    %dma_wait3A_135 = tpu.memref_slice %arg6[%dma_wait3A_120, %dma_wait3A_133, %dma_wait3A_134] : memref<4x32x896xf32, #tpu.memory_space<vmem>> -> memref<1x32x896xf32, #tpu.memory_space<vmem>>
    %dma_wait3A_136 = tpu.memref_squeeze %dma_wait3A_135 : memref<1x32x896xf32, #tpu.memory_space<vmem>> -> memref<32x896xf32, #tpu.memory_space<vmem>>
    tpu.wait_dma2 semaphore(%arg12 : memref<!tpu.dma_semaphore, #tpu.memory_space<semaphore_mem>>) src(%dma_wait3A_136 : memref<32x896xf32, #tpu.memory_space<vmem>>) dst(%dma_wait3A_132 : memref<32x896xf32, #tpu.memory_space<hbm>>)
    %dma_start3A_137 = arith.constant 1 : i32
    %dma_start3A_138 = arith.constant 0 : i32
    %dma_start3A_139 = arith.constant 0 : i32
    %dma_start3A_140 = tpu.memref_slice %arg6[%dma_start3A_137, %dma_start3A_138, %dma_start3A_139] : memref<4x32x896xf32, #tpu.memory_space<vmem>> -> memref<1x32x896xf32, #tpu.memory_space<vmem>>
    %dma_start3A_141 = tpu.memref_squeeze %dma_start3A_140 : memref<1x32x896xf32, #tpu.memory_space<vmem>> -> memref<32x896xf32, #tpu.memory_space<vmem>>
    %dma_start3A_142 = arith.constant 160 : i32
    %dma_start3A_143 = tpu.memref_slice %arg5[%dma_start3A_142] : memref<512xi32, #tpu.memory_space<vmem>> -> memref<32xi32, #tpu.memory_space<vmem>>
    %dma_start3A_144 = arith.constant 0 : i32
    %dma_start3A_145 = arith.constant 0 : i32
    %dma_start3A_146 = tpu.memref_slice %arg3[%dma_start3A_144, %dma_start3A_145] : memref<151936x896xf32, #tpu.memory_space<hbm>> -> memref<151936x896xf32, #tpu.memory_space<hbm>>
    tpu.enqueue_indirect_dma source(%dma_start3A_146 : memref<151936x896xf32, #tpu.memory_space<hbm>>) target(%dma_start3A_141 : memref<32x896xf32, #tpu.memory_space<vmem>>) offsets(%dma_start3A_143 : memref<32xi32, #tpu.memory_space<vmem>>) semaphore(%arg8 : memref<!tpu.dma_semaphore, #tpu.memory_space<semaphore_mem>>)
    %dma_wait3A_147 = arith.constant 2 : i32
    %dma_wait3A_148 = arith.constant 0 : i32
    %dma_wait3A_149 = arith.constant 0 : i32
    %dma_wait3A_150 = tpu.memref_slice %arg6[%dma_wait3A_147, %dma_wait3A_148, %dma_wait3A_149] : memref<4x32x896xf32, #tpu.memory_space<vmem>> -> memref<1x32x896xf32, #tpu.memory_space<vmem>>
    %dma_wait3A_151 = tpu.memref_squeeze %dma_wait3A_150 : memref<1x32x896xf32, #tpu.memory_space<vmem>> -> memref<32x896xf32, #tpu.memory_space<vmem>>
    %dma_wait3A_152 = arith.constant 64 : i32
    %dma_wait3A_153 = tpu.memref_slice %arg5[%dma_wait3A_152] : memref<512xi32, #tpu.memory_space<vmem>> -> memref<32xi32, #tpu.memory_space<vmem>>
    %dma_wait3A_154 = arith.constant 0 : i32
    %dma_wait3A_155 = arith.constant 0 : i32
    %dma_wait3A_156 = tpu.memref_slice %arg3[%dma_wait3A_154, %dma_wait3A_155] : memref<151936x896xf32, #tpu.memory_space<hbm>> -> memref<151936x896xf32, #tpu.memory_space<hbm>>
    tpu.wait_indirect_dma semaphore(%arg9 : memref<!tpu.dma_semaphore, #tpu.memory_space<semaphore_mem>>) src(%dma_wait3A_156 : memref<151936x896xf32, #tpu.memory_space<hbm>>) dst(%dma_wait3A_151 : memref<32x896xf32, #tpu.memory_space<vmem>>)
    %dma_start3A_157 = arith.constant 2 : i32
    %dma_start3A_158 = arith.constant 0 : i32
    %dma_start3A_159 = arith.constant 0 : i32
    %dma_start3A_160 = tpu.memref_slice %arg6[%dma_start3A_157, %dma_start3A_158, %dma_start3A_159] : memref<4x32x896xf32, #tpu.memory_space<vmem>> -> memref<1x32x896xf32, #tpu.memory_space<vmem>>
    %dma_start3A_161 = tpu.memref_squeeze %dma_start3A_160 : memref<1x32x896xf32, #tpu.memory_space<vmem>> -> memref<32x896xf32, #tpu.memory_space<vmem>>
    %dma_start3A_162 = arith.constant 64 : i32
    %dma_start3A_163 = arith.constant 0 : i32
    %dma_start3A_164 = tpu.memref_slice %arg4[%add3A, %dma_start3A_162, %dma_start3A_163] : memref<32x512x896xf32, #tpu.memory_space<hbm>> -> memref<1x32x896xf32, #tpu.memory_space<hbm>>
    %dma_start3A_165 = tpu.memref_squeeze %dma_start3A_164 : memref<1x32x896xf32, #tpu.memory_space<hbm>> -> memref<32x896xf32, #tpu.memory_space<hbm>>
    %dma_start3A_166 = arith.constant 64 : i32
    %dma_start3A_167 = arith.constant 0 : i32
    %dma_start3A_168 = tpu.memref_slice %arg4[%add3A, %dma_start3A_166, %dma_start3A_167] : memref<32x512x896xf32, #tpu.memory_space<hbm>> -> memref<1x32x896xf32, #tpu.memory_space<hbm>>
    %dma_start3A_169 = tpu.memref_squeeze %dma_start3A_168 : memref<1x32x896xf32, #tpu.memory_space<hbm>> -> memref<32x896xf32, #tpu.memory_space<hbm>>
    %dma_start3A_170 = arith.constant 0 : i32
    %dma_start3A_171 = arith.constant 0 : i32
    %dma_start3A_172 = tpu.memref_slice %arg6[%dma_start3A_157, %dma_start3A_170, %dma_start3A_171] : memref<4x32x896xf32, #tpu.memory_space<vmem>> -> memref<1x32x896xf32, #tpu.memory_space<vmem>>
    %dma_start3A_173 = tpu.memref_squeeze %dma_start3A_172 : memref<1x32x896xf32, #tpu.memory_space<vmem>> -> memref<32x896xf32, #tpu.memory_space<vmem>>
    tpu.enqueue_dma source(%dma_start3A_173 : memref<32x896xf32, #tpu.memory_space<vmem>>) target(%dma_start3A_169 : memref<32x896xf32, #tpu.memory_space<hbm>>) target_semaphore(%arg13 : memref<!tpu.dma_semaphore, #tpu.memory_space<semaphore_mem>>)
    %dma_wait3A_174 = arith.constant 2 : i32
    %dma_wait3A_175 = arith.constant 0 : i32
    %dma_wait3A_176 = arith.constant 0 : i32
    %dma_wait3A_177 = tpu.memref_slice %arg6[%dma_wait3A_174, %dma_wait3A_175, %dma_wait3A_176] : memref<4x32x896xf32, #tpu.memory_space<vmem>> -> memref<1x32x896xf32, #tpu.memory_space<vmem>>
    %dma_wait3A_178 = tpu.memref_squeeze %dma_wait3A_177 : memref<1x32x896xf32, #tpu.memory_space<vmem>> -> memref<32x896xf32, #tpu.memory_space<vmem>>
    %dma_wait3A_179 = arith.constant 64 : i32
    %dma_wait3A_180 = arith.constant 0 : i32
    %dma_wait3A_181 = tpu.memref_slice %arg4[%add3A, %dma_wait3A_179, %dma_wait3A_180] : memref<32x512x896xf32, #tpu.memory_space<hbm>> -> memref<1x32x896xf32, #tpu.memory_space<hbm>>
    %dma_wait3A_182 = tpu.memref_squeeze %dma_wait3A_181 : memref<1x32x896xf32, #tpu.memory_space<hbm>> -> memref<32x896xf32, #tpu.memory_space<hbm>>
    %dma_wait3A_183 = arith.constant 64 : i32
    %dma_wait3A_184 = arith.constant 0 : i32
    %dma_wait3A_185 = tpu.memref_slice %arg4[%add3A, %dma_wait3A_183, %dma_wait3A_184] : memref<32x512x896xf32, #tpu.memory_space<hbm>> -> memref<1x32x896xf32, #tpu.memory_space<hbm>>
    %dma_wait3A_186 = tpu.memref_squeeze %dma_wait3A_185 : memref<1x32x896xf32, #tpu.memory_space<hbm>> -> memref<32x896xf32, #tpu.memory_space<hbm>>
    %dma_wait3A_187 = arith.constant 0 : i32
    %dma_wait3A_188 = arith.constant 0 : i32
    %dma_wait3A_189 = tpu.memref_slice %arg6[%dma_wait3A_174, %dma_wait3A_187, %dma_wait3A_188] : memref<4x32x896xf32, #tpu.memory_space<vmem>> -> memref<1x32x896xf32, #tpu.memory_space<vmem>>
    %dma_wait3A_190 = tpu.memref_squeeze %dma_wait3A_189 : memref<1x32x896xf32, #tpu.memory_space<vmem>> -> memref<32x896xf32, #tpu.memory_space<vmem>>
    tpu.wait_dma2 semaphore(%arg13 : memref<!tpu.dma_semaphore, #tpu.memory_space<semaphore_mem>>) src(%dma_wait3A_190 : memref<32x896xf32, #tpu.memory_space<vmem>>) dst(%dma_wait3A_186 : memref<32x896xf32, #tpu.memory_space<hbm>>)
    %dma_start3A_191 = arith.constant 2 : i32
    %dma_start3A_192 = arith.constant 0 : i32
    %dma_start3A_193 = arith.constant 0 : i32
    %dma_start3A_194 = tpu.memref_slice %arg6[%dma_start3A_191, %dma_start3A_192, %dma_start3A_193] : memref<4x32x896xf32, #tpu.memory_space<vmem>> -> memref<1x32x896xf32, #tpu.memory_space<vmem>>
    %dma_start3A_195 = tpu.memref_squeeze %dma_start3A_194 : memref<1x32x896xf32, #tpu.memory_space<vmem>> -> memref<32x896xf32, #tpu.memory_space<vmem>>
    %dma_start3A_196 = arith.constant 192 : i32
    %dma_start3A_197 = tpu.memref_slice %arg5[%dma_start3A_196] : memref<512xi32, #tpu.memory_space<vmem>> -> memref<32xi32, #tpu.memory_space<vmem>>
    %dma_start3A_198 = arith.constant 0 : i32
    %dma_start3A_199 = arith.constant 0 : i32
    %dma_start3A_200 = tpu.memref_slice %arg3[%dma_start3A_198, %dma_start3A_199] : memref<151936x896xf32, #tpu.memory_space<hbm>> -> memref<151936x896xf32, #tpu.memory_space<hbm>>
    tpu.enqueue_indirect_dma source(%dma_start3A_200 : memref<151936x896xf32, #tpu.memory_space<hbm>>) target(%dma_start3A_195 : memref<32x896xf32, #tpu.memory_space<vmem>>) offsets(%dma_start3A_197 : memref<32xi32, #tpu.memory_space<vmem>>) semaphore(%arg9 : memref<!tpu.dma_semaphore, #tpu.memory_space<semaphore_mem>>)
    %dma_wait3A_201 = arith.constant 3 : i32
    %dma_wait3A_202 = arith.constant 0 : i32
    %dma_wait3A_203 = arith.constant 0 : i32
    %dma_wait3A_204 = tpu.memref_slice %arg6[%dma_wait3A_201, %dma_wait3A_202, %dma_wait3A_203] : memref<4x32x896xf32, #tpu.memory_space<vmem>> -> memref<1x32x896xf32, #tpu.memory_space<vmem>>
    %dma_wait3A_205 = tpu.memref_squeeze %dma_wait3A_204 : memref<1x32x896xf32, #tpu.memory_space<vmem>> -> memref<32x896xf32, #tpu.memory_space<vmem>>
    %dma_wait3A_206 = arith.constant 96 : i32
    %dma_wait3A_207 = tpu.memref_slice %arg5[%dma_wait3A_206] : memref<512xi32, #tpu.memory_space<vmem>> -> memref<32xi32, #tpu.memory_space<vmem>>
    %dma_wait3A_208 = arith.constant 0 : i32
    %dma_wait3A_209 = arith.constant 0 : i32
    %dma_wait3A_210 = tpu.memref_slice %arg3[%dma_wait3A_208, %dma_wait3A_209] : memref<151936x896xf32, #tpu.memory_space<hbm>> -> memref<151936x896xf32, #tpu.memory_space<hbm>>
    tpu.wait_indirect_dma semaphore(%arg10 : memref<!tpu.dma_semaphore, #tpu.memory_space<semaphore_mem>>) src(%dma_wait3A_210 : memref<151936x896xf32, #tpu.memory_space<hbm>>) dst(%dma_wait3A_205 : memref<32x896xf32, #tpu.memory_space<vmem>>)
    %dma_start3A_211 = arith.constant 3 : i32
    %dma_start3A_212 = arith.constant 0 : i32
    %dma_start3A_213 = arith.constant 0 : i32
    %dma_start3A_214 = tpu.memref_slice %arg6[%dma_start3A_211, %dma_start3A_212, %dma_start3A_213] : memref<4x32x896xf32, #tpu.memory_space<vmem>> -> memref<1x32x896xf32, #tpu.memory_space<vmem>>
    %dma_start3A_215 = tpu.memref_squeeze %dma_start3A_214 : memref<1x32x896xf32, #tpu.memory_space<vmem>> -> memref<32x896xf32, #tpu.memory_space<vmem>>
    %dma_start3A_216 = arith.constant 96 : i32
    %dma_start3A_217 = arith.constant 0 : i32
    %dma_start3A_218 = tpu.memref_slice %arg4[%add3A, %dma_start3A_216, %dma_start3A_217] : memref<32x512x896xf32, #tpu.memory_space<hbm>> -> memref<1x32x896xf32, #tpu.memory_space<hbm>>
    %dma_start3A_219 = tpu.memref_squeeze %dma_start3A_218 : memref<1x32x896xf32, #tpu.memory_space<hbm>> -> memref<32x896xf32, #tpu.memory_space<hbm>>
    %dma_start3A_220 = arith.constant 96 : i32
    %dma_start3A_221 = arith.constant 0 : i32
    %dma_start3A_222 = tpu.memref_slice %arg4[%add3A, %dma_start3A_220, %dma_start3A_221] : memref<32x512x896xf32, #tpu.memory_space<hbm>> -> memref<1x32x896xf32, #tpu.memory_space<hbm>>
    %dma_start3A_223 = tpu.memref_squeeze %dma_start3A_222 : memref<1x32x896xf32, #tpu.memory_space<hbm>> -> memref<32x896xf32, #tpu.memory_space<hbm>>
    %dma_start3A_224 = arith.constant 0 : i32
    %dma_start3A_225 = arith.constant 0 : i32
    %dma_start3A_226 = tpu.memref_slice %arg6[%dma_start3A_211, %dma_start3A_224, %dma_start3A_225] : memref<4x32x896xf32, #tpu.memory_space<vmem>> -> memref<1x32x896xf32, #tpu.memory_space<vmem>>
    %dma_start3A_227 = tpu.memref_squeeze %dma_start3A_226 : memref<1x32x896xf32, #tpu.memory_space<vmem>> -> memref<32x896xf32, #tpu.memory_space<vmem>>
    tpu.enqueue_dma source(%dma_start3A_227 : memref<32x896xf32, #tpu.memory_space<vmem>>) target(%dma_start3A_223 : memref<32x896xf32, #tpu.memory_space<hbm>>) target_semaphore(%arg14 : memref<!tpu.dma_semaphore, #tpu.memory_space<semaphore_mem>>)
    %dma_wait3A_228 = arith.constant 3 : i32
    %dma_wait3A_229 = arith.constant 0 : i32
    %dma_wait3A_230 = arith.constant 0 : i32
    %dma_wait3A_231 = tpu.memref_slice %arg6[%dma_wait3A_228, %dma_wait3A_229, %dma_wait3A_230] : memref<4x32x896xf32, #tpu.memory_space<vmem>> -> memref<1x32x896xf32, #tpu.memory_space<vmem>>
    %dma_wait3A_232 = tpu.memref_squeeze %dma_wait3A_231 : memref<1x32x896xf32, #tpu.memory_space<vmem>> -> memref<32x896xf32, #tpu.memory_space<vmem>>
    %dma_wait3A_233 = arith.constant 96 : i32
    %dma_wait3A_234 = arith.constant 0 : i32
    %dma_wait3A_235 = tpu.memref_slice %arg4[%add3A, %dma_wait3A_233, %dma_wait3A_234] : memref<32x512x896xf32, #tpu.memory_space<hbm>> -> memref<1x32x896xf32, #tpu.memory_space<hbm>>
    %dma_wait3A_236 = tpu.memref_squeeze %dma_wait3A_235 : memref<1x32x896xf32, #tpu.memory_space<hbm>> -> memref<32x896xf32, #tpu.memory_space<hbm>>
    %dma_wait3A_237 = arith.constant 96 : i32
    %dma_wait3A_238 = arith.constant 0 : i32
    %dma_wait3A_239 = tpu.memref_slice %arg4[%add3A, %dma_wait3A_237, %dma_wait3A_238] : memref<32x512x896xf32, #tpu.memory_space<hbm>> -> memref<1x32x896xf32, #tpu.memory_space<hbm>>
    %dma_wait3A_240 = tpu.memref_squeeze %dma_wait3A_239 : memref<1x32x896xf32, #tpu.memory_space<hbm>> -> memref<32x896xf32, #tpu.memory_space<hbm>>
    %dma_wait3A_241 = arith.constant 0 : i32
    %dma_wait3A_242 = arith.constant 0 : i32
    %dma_wait3A_243 = tpu.memref_slice %arg6[%dma_wait3A_228, %dma_wait3A_241, %dma_wait3A_242] : memref<4x32x896xf32, #tpu.memory_space<vmem>> -> memref<1x32x896xf32, #tpu.memory_space<vmem>>
    %dma_wait3A_244 = tpu.memref_squeeze %dma_wait3A_243 : memref<1x32x896xf32, #tpu.memory_space<vmem>> -> memref<32x896xf32, #tpu.memory_space<vmem>>
    tpu.wait_dma2 semaphore(%arg14 : memref<!tpu.dma_semaphore, #tpu.memory_space<semaphore_mem>>) src(%dma_wait3A_244 : memref<32x896xf32, #tpu.memory_space<vmem>>) dst(%dma_wait3A_240 : memref<32x896xf32, #tpu.memory_space<hbm>>)
    %dma_start3A_245 = arith.constant 3 : i32
    %dma_start3A_246 = arith.constant 0 : i32
    %dma_start3A_247 = arith.constant 0 : i32
    %dma_start3A_248 = tpu.memref_slice %arg6[%dma_start3A_245, %dma_start3A_246, %dma_start3A_247] : memref<4x32x896xf32, #tpu.memory_space<vmem>> -> memref<1x32x896xf32, #tpu.memory_space<vmem>>
    %dma_start3A_249 = tpu.memref_squeeze %dma_start3A_248 : memref<1x32x896xf32, #tpu.memory_space<vmem>> -> memref<32x896xf32, #tpu.memory_space<vmem>>
    %dma_start3A_250 = arith.constant 224 : i32
    %dma_start3A_251 = tpu.memref_slice %arg5[%dma_start3A_250] : memref<512xi32, #tpu.memory_space<vmem>> -> memref<32xi32, #tpu.memory_space<vmem>>
    %dma_start3A_252 = arith.constant 0 : i32
    %dma_start3A_253 = arith.constant 0 : i32
    %dma_start3A_254 = tpu.memref_slice %arg3[%dma_start3A_252, %dma_start3A_253] : memref<151936x896xf32, #tpu.memory_space<hbm>> -> memref<151936x896xf32, #tpu.memory_space<hbm>>
    tpu.enqueue_indirect_dma source(%dma_start3A_254 : memref<151936x896xf32, #tpu.memory_space<hbm>>) target(%dma_start3A_249 : memref<32x896xf32, #tpu.memory_space<vmem>>) offsets(%dma_start3A_251 : memref<32xi32, #tpu.memory_space<vmem>>) semaphore(%arg10 : memref<!tpu.dma_semaphore, #tpu.memory_space<semaphore_mem>>)
    %dma_wait3A_255 = arith.constant 0 : i32
    %dma_wait3A_256 = arith.constant 0 : i32
    %dma_wait3A_257 = arith.constant 0 : i32
    %dma_wait3A_258 = tpu.memref_slice %arg6[%dma_wait3A_255, %dma_wait3A_256, %dma_wait3A_257] : memref<4x32x896xf32, #tpu.memory_space<vmem>> -> memref<1x32x896xf32, #tpu.memory_space<vmem>>
    %dma_wait3A_259 = tpu.memref_squeeze %dma_wait3A_258 : memref<1x32x896xf32, #tpu.memory_space<vmem>> -> memref<32x896xf32, #tpu.memory_space<vmem>>
    %dma_wait3A_260 = arith.constant 128 : i32
    %dma_wait3A_261 = tpu.memref_slice %arg5[%dma_wait3A_260] : memref<512xi32, #tpu.memory_space<vmem>> -> memref<32xi32, #tpu.memory_space<vmem>>
    %dma_wait3A_262 = arith.constant 0 : i32
    %dma_wait3A_263 = arith.constant 0 : i32
    %dma_wait3A_264 = tpu.memref_slice %arg3[%dma_wait3A_262, %dma_wait3A_263] : memref<151936x896xf32, #tpu.memory_space<hbm>> -> memref<151936x896xf32, #tpu.memory_space<hbm>>
    tpu.wait_indirect_dma semaphore(%arg7 : memref<!tpu.dma_semaphore, #tpu.memory_space<semaphore_mem>>) src(%dma_wait3A_264 : memref<151936x896xf32, #tpu.memory_space<hbm>>) dst(%dma_wait3A_259 : memref<32x896xf32, #tpu.memory_space<vmem>>)
    %dma_start3A_265 = arith.constant 0 : i32
    %dma_start3A_266 = arith.constant 0 : i32
    %dma_start3A_267 = arith.constant 0 : i32
    %dma_start3A_268 = tpu.memref_slice %arg6[%dma_start3A_265, %dma_start3A_266, %dma_start3A_267] : memref<4x32x896xf32, #tpu.memory_space<vmem>> -> memref<1x32x896xf32, #tpu.memory_space<vmem>>
    %dma_start3A_269 = tpu.memref_squeeze %dma_start3A_268 : memref<1x32x896xf32, #tpu.memory_space<vmem>> -> memref<32x896xf32, #tpu.memory_space<vmem>>
    %dma_start3A_270 = arith.constant 128 : i32
    %dma_start3A_271 = arith.constant 0 : i32
    %dma_start3A_272 = tpu.memref_slice %arg4[%add3A, %dma_start3A_270, %dma_start3A_271] : memref<32x512x896xf32, #tpu.memory_space<hbm>> -> memref<1x32x896xf32, #tpu.memory_space<hbm>>
    %dma_start3A_273 = tpu.memref_squeeze %dma_start3A_272 : memref<1x32x896xf32, #tpu.memory_space<hbm>> -> memref<32x896xf32, #tpu.memory_space<hbm>>
    %dma_start3A_274 = arith.constant 128 : i32
    %dma_start3A_275 = arith.constant 0 : i32
    %dma_start3A_276 = tpu.memref_slice %arg4[%add3A, %dma_start3A_274, %dma_start3A_275] : memref<32x512x896xf32, #tpu.memory_space<hbm>> -> memref<1x32x896xf32, #tpu.memory_space<hbm>>
    %dma_start3A_277 = tpu.memref_squeeze %dma_start3A_276 : memref<1x32x896xf32, #tpu.memory_space<hbm>> -> memref<32x896xf32, #tpu.memory_space<hbm>>
    %dma_start3A_278 = arith.constant 0 : i32
    %dma_start3A_279 = arith.constant 0 : i32
    %dma_start3A_280 = tpu.memref_slice %arg6[%dma_start3A_265, %dma_start3A_278, %dma_start3A_279] : memref<4x32x896xf32, #tpu.memory_space<vmem>> -> memref<1x32x896xf32, #tpu.memory_space<vmem>>
    %dma_start3A_281 = tpu.memref_squeeze %dma_start3A_280 : memref<1x32x896xf32, #tpu.memory_space<vmem>> -> memref<32x896xf32, #tpu.memory_space<vmem>>
    tpu.enqueue_dma source(%dma_start3A_281 : memref<32x896xf32, #tpu.memory_space<vmem>>) target(%dma_start3A_277 : memref<32x896xf32, #tpu.memory_space<hbm>>) target_semaphore(%arg11 : memref<!tpu.dma_semaphore, #tpu.memory_space<semaphore_mem>>)
    %dma_wait3A_282 = arith.constant 0 : i32
    %dma_wait3A_283 = arith.constant 0 : i32
    %dma_wait3A_284 = arith.constant 0 : i32
    %dma_wait3A_285 = tpu.memref_slice %arg6[%dma_wait3A_282, %dma_wait3A_283, %dma_wait3A_284] : memref<4x32x896xf32, #tpu.memory_space<vmem>> -> memref<1x32x896xf32, #tpu.memory_space<vmem>>
    %dma_wait3A_286 = tpu.memref_squeeze %dma_wait3A_285 : memref<1x32x896xf32, #tpu.memory_space<vmem>> -> memref<32x896xf32, #tpu.memory_space<vmem>>
    %dma_wait3A_287 = arith.constant 128 : i32
    %dma_wait3A_288 = arith.constant 0 : i32
    %dma_wait3A_289 = tpu.memref_slice %arg4[%add3A, %dma_wait3A_287, %dma_wait3A_288] : memref<32x512x896xf32, #tpu.memory_space<hbm>> -> memref<1x32x896xf32, #tpu.memory_space<hbm>>
    %dma_wait3A_290 = tpu.memref_squeeze %dma_wait3A_289 : memref<1x32x896xf32, #tpu.memory_space<hbm>> -> memref<32x896xf32, #tpu.memory_space<hbm>>
    %dma_wait3A_291 = arith.constant 128 : i32
    %dma_wait3A_292 = arith.constant 0 : i32
    %dma_wait3A_293 = tpu.memref_slice %arg4[%add3A, %dma_wait3A_291, %dma_wait3A_292] : memref<32x512x896xf32, #tpu.memory_space<hbm>> -> memref<1x32x896xf32, #tpu.memory_space<hbm>>
    %dma_wait3A_294 = tpu.memref_squeeze %dma_wait3A_293 : memref<1x32x896xf32, #tpu.memory_space<hbm>> -> memref<32x896xf32, #tpu.memory_space<hbm>>
    %dma_wait3A_295 = arith.constant 0 : i32
    %dma_wait3A_296 = arith.constant 0 : i32
    %dma_wait3A_297 = tpu.memref_slice %arg6[%dma_wait3A_282, %dma_wait3A_295, %dma_wait3A_296] : memref<4x32x896xf32, #tpu.memory_space<vmem>> -> memref<1x32x896xf32, #tpu.memory_space<vmem>>
    %dma_wait3A_298 = tpu.memref_squeeze %dma_wait3A_297 : memref<1x32x896xf32, #tpu.memory_space<vmem>> -> memref<32x896xf32, #tpu.memory_space<vmem>>
    tpu.wait_dma2 semaphore(%arg11 : memref<!tpu.dma_semaphore, #tpu.memory_space<semaphore_mem>>) src(%dma_wait3A_298 : memref<32x896xf32, #tpu.memory_space<vmem>>) dst(%dma_wait3A_294 : memref<32x896xf32, #tpu.memory_space<hbm>>)
    %dma_start3A_299 = arith.constant 0 : i32
    %dma_start3A_300 = arith.constant 0 : i32
    %dma_start3A_301 = arith.constant 0 : i32
    %dma_start3A_302 = tpu.memref_slice %arg6[%dma_start3A_299, %dma_start3A_300, %dma_start3A_301] : memref<4x32x896xf32, #tpu.memory_space<vmem>> -> memref<1x32x896xf32, #tpu.memory_space<vmem>>
    %dma_start3A_303 = tpu.memref_squeeze %dma_start3A_302 : memref<1x32x896xf32, #tpu.memory_space<vmem>> -> memref<32x896xf32, #tpu.memory_space<vmem>>
    %dma_start3A_304 = arith.constant 256 : i32
    %dma_start3A_305 = tpu.memref_slice %arg5[%dma_start3A_304] : memref<512xi32, #tpu.memory_space<vmem>> -> memref<32xi32, #tpu.memory_space<vmem>>
    %dma_start3A_306 = arith.constant 0 : i32
    %dma_start3A_307 = arith.constant 0 : i32
    %dma_start3A_308 = tpu.memref_slice %arg3[%dma_start3A_306, %dma_start3A_307] : memref<151936x896xf32, #tpu.memory_space<hbm>> -> memref<151936x896xf32, #tpu.memory_space<hbm>>
    tpu.enqueue_indirect_dma source(%dma_start3A_308 : memref<151936x896xf32, #tpu.memory_space<hbm>>) target(%dma_start3A_303 : memref<32x896xf32, #tpu.memory_space<vmem>>) offsets(%dma_start3A_305 : memref<32xi32, #tpu.memory_space<vmem>>) semaphore(%arg7 : memref<!tpu.dma_semaphore, #tpu.memory_space<semaphore_mem>>)
    %dma_wait3A_309 = arith.constant 1 : i32
    %dma_wait3A_310 = arith.constant 0 : i32
    %dma_wait3A_311 = arith.constant 0 : i32
    %dma_wait3A_312 = tpu.memref_slice %arg6[%dma_wait3A_309, %dma_wait3A_310, %dma_wait3A_311] : memref<4x32x896xf32, #tpu.memory_space<vmem>> -> memref<1x32x896xf32, #tpu.memory_space<vmem>>
    %dma_wait3A_313 = tpu.memref_squeeze %dma_wait3A_312 : memref<1x32x896xf32, #tpu.memory_space<vmem>> -> memref<32x896xf32, #tpu.memory_space<vmem>>
    %dma_wait3A_314 = arith.constant 160 : i32
    %dma_wait3A_315 = tpu.memref_slice %arg5[%dma_wait3A_314] : memref<512xi32, #tpu.memory_space<vmem>> -> memref<32xi32, #tpu.memory_space<vmem>>
    %dma_wait3A_316 = arith.constant 0 : i32
    %dma_wait3A_317 = arith.constant 0 : i32
    %dma_wait3A_318 = tpu.memref_slice %arg3[%dma_wait3A_316, %dma_wait3A_317] : memref<151936x896xf32, #tpu.memory_space<hbm>> -> memref<151936x896xf32, #tpu.memory_space<hbm>>
    tpu.wait_indirect_dma semaphore(%arg8 : memref<!tpu.dma_semaphore, #tpu.memory_space<semaphore_mem>>) src(%dma_wait3A_318 : memref<151936x896xf32, #tpu.memory_space<hbm>>) dst(%dma_wait3A_313 : memref<32x896xf32, #tpu.memory_space<vmem>>)
    %dma_start3A_319 = arith.constant 1 : i32
    %dma_start3A_320 = arith.constant 0 : i32
    %dma_start3A_321 = arith.constant 0 : i32
    %dma_start3A_322 = tpu.memref_slice %arg6[%dma_start3A_319, %dma_start3A_320, %dma_start3A_321] : memref<4x32x896xf32, #tpu.memory_space<vmem>> -> memref<1x32x896xf32, #tpu.memory_space<vmem>>
    %dma_start3A_323 = tpu.memref_squeeze %dma_start3A_322 : memref<1x32x896xf32, #tpu.memory_space<vmem>> -> memref<32x896xf32, #tpu.memory_space<vmem>>
    %dma_start3A_324 = arith.constant 160 : i32
    %dma_start3A_325 = arith.constant 0 : i32
    %dma_start3A_326 = tpu.memref_slice %arg4[%add3A, %dma_start3A_324, %dma_start3A_325] : memref<32x512x896xf32, #tpu.memory_space<hbm>> -> memref<1x32x896xf32, #tpu.memory_space<hbm>>
    %dma_start3A_327 = tpu.memref_squeeze %dma_start3A_326 : memref<1x32x896xf32, #tpu.memory_space<hbm>> -> memref<32x896xf32, #tpu.memory_space<hbm>>
    %dma_start3A_328 = arith.constant 160 : i32
    %dma_start3A_329 = arith.constant 0 : i32
    %dma_start3A_330 = tpu.memref_slice %arg4[%add3A, %dma_start3A_328, %dma_start3A_329] : memref<32x512x896xf32, #tpu.memory_space<hbm>> -> memref<1x32x896xf32, #tpu.memory_space<hbm>>
    %dma_start3A_331 = tpu.memref_squeeze %dma_start3A_330 : memref<1x32x896xf32, #tpu.memory_space<hbm>> -> memref<32x896xf32, #tpu.memory_space<hbm>>
    %dma_start3A_332 = arith.constant 0 : i32
    %dma_start3A_333 = arith.constant 0 : i32
    %dma_start3A_334 = tpu.memref_slice %arg6[%dma_start3A_319, %dma_start3A_332, %dma_start3A_333] : memref<4x32x896xf32, #tpu.memory_space<vmem>> -> memref<1x32x896xf32, #tpu.memory_space<vmem>>
    %dma_start3A_335 = tpu.memref_squeeze %dma_start3A_334 : memref<1x32x896xf32, #tpu.memory_space<vmem>> -> memref<32x896xf32, #tpu.memory_space<vmem>>
    tpu.enqueue_dma source(%dma_start3A_335 : memref<32x896xf32, #tpu.memory_space<vmem>>) target(%dma_start3A_331 : memref<32x896xf32, #tpu.memory_space<hbm>>) target_semaphore(%arg12 : memref<!tpu.dma_semaphore, #tpu.memory_space<semaphore_mem>>)
    %dma_wait3A_336 = arith.constant 1 : i32
    %dma_wait3A_337 = arith.constant 0 : i32
    %dma_wait3A_338 = arith.constant 0 : i32
    %dma_wait3A_339 = tpu.memref_slice %arg6[%dma_wait3A_336, %dma_wait3A_337, %dma_wait3A_338] : memref<4x32x896xf32, #tpu.memory_space<vmem>> -> memref<1x32x896xf32, #tpu.memory_space<vmem>>
    %dma_wait3A_340 = tpu.memref_squeeze %dma_wait3A_339 : memref<1x32x896xf32, #tpu.memory_space<vmem>> -> memref<32x896xf32, #tpu.memory_space<vmem>>
    %dma_wait3A_341 = arith.constant 160 : i32
    %dma_wait3A_342 = arith.constant 0 : i32
    %dma_wait3A_343 = tpu.memref_slice %arg4[%add3A, %dma_wait3A_341, %dma_wait3A_342] : memref<32x512x896xf32, #tpu.memory_space<hbm>> -> memref<1x32x896xf32, #tpu.memory_space<hbm>>
    %dma_wait3A_344 = tpu.memref_squeeze %dma_wait3A_343 : memref<1x32x896xf32, #tpu.memory_space<hbm>> -> memref<32x896xf32, #tpu.memory_space<hbm>>
    %dma_wait3A_345 = arith.constant 160 : i32
    %dma_wait3A_346 = arith.constant 0 : i32
    %dma_wait3A_347 = tpu.memref_slice %arg4[%add3A, %dma_wait3A_345, %dma_wait3A_346] : memref<32x512x896xf32, #tpu.memory_space<hbm>> -> memref<1x32x896xf32, #tpu.memory_space<hbm>>
    %dma_wait3A_348 = tpu.memref_squeeze %dma_wait3A_347 : memref<1x32x896xf32, #tpu.memory_space<hbm>> -> memref<32x896xf32, #tpu.memory_space<hbm>>
    %dma_wait3A_349 = arith.constant 0 : i32
    %dma_wait3A_350 = arith.constant 0 : i32
    %dma_wait3A_351 = tpu.memref_slice %arg6[%dma_wait3A_336, %dma_wait3A_349, %dma_wait3A_350] : memref<4x32x896xf32, #tpu.memory_space<vmem>> -> memref<1x32x896xf32, #tpu.memory_space<vmem>>
    %dma_wait3A_352 = tpu.memref_squeeze %dma_wait3A_351 : memref<1x32x896xf32, #tpu.memory_space<vmem>> -> memref<32x896xf32, #tpu.memory_space<vmem>>
    tpu.wait_dma2 semaphore(%arg12 : memref<!tpu.dma_semaphore, #tpu.memory_space<semaphore_mem>>) src(%dma_wait3A_352 : memref<32x896xf32, #tpu.memory_space<vmem>>) dst(%dma_wait3A_348 : memref<32x896xf32, #tpu.memory_space<hbm>>)
    %dma_start3A_353 = arith.constant 1 : i32
    %dma_start3A_354 = arith.constant 0 : i32
    %dma_start3A_355 = arith.constant 0 : i32
    %dma_start3A_356 = tpu.memref_slice %arg6[%dma_start3A_353, %dma_start3A_354, %dma_start3A_355] : memref<4x32x896xf32, #tpu.memory_space<vmem>> -> memref<1x32x896xf32, #tpu.memory_space<vmem>>
    %dma_start3A_357 = tpu.memref_squeeze %dma_start3A_356 : memref<1x32x896xf32, #tpu.memory_space<vmem>> -> memref<32x896xf32, #tpu.memory_space<vmem>>
    %dma_start3A_358 = arith.constant 288 : i32
    %dma_start3A_359 = tpu.memref_slice %arg5[%dma_start3A_358] : memref<512xi32, #tpu.memory_space<vmem>> -> memref<32xi32, #tpu.memory_space<vmem>>
    %dma_start3A_360 = arith.constant 0 : i32
    %dma_start3A_361 = arith.constant 0 : i32
    %dma_start3A_362 = tpu.memref_slice %arg3[%dma_start3A_360, %dma_start3A_361] : memref<151936x896xf32, #tpu.memory_space<hbm>> -> memref<151936x896xf32, #tpu.memory_space<hbm>>
    tpu.enqueue_indirect_dma source(%dma_start3A_362 : memref<151936x896xf32, #tpu.memory_space<hbm>>) target(%dma_start3A_357 : memref<32x896xf32, #tpu.memory_space<vmem>>) offsets(%dma_start3A_359 : memref<32xi32, #tpu.memory_space<vmem>>) semaphore(%arg8 : memref<!tpu.dma_semaphore, #tpu.memory_space<semaphore_mem>>)
    %dma_wait3A_363 = arith.constant 2 : i32
    %dma_wait3A_364 = arith.constant 0 : i32
    %dma_wait3A_365 = arith.constant 0 : i32
    %dma_wait3A_366 = tpu.memref_slice %arg6[%dma_wait3A_363, %dma_wait3A_364, %dma_wait3A_365] : memref<4x32x896xf32, #tpu.memory_space<vmem>> -> memref<1x32x896xf32, #tpu.memory_space<vmem>>
    %dma_wait3A_367 = tpu.memref_squeeze %dma_wait3A_366 : memref<1x32x896xf32, #tpu.memory_space<vmem>> -> memref<32x896xf32, #tpu.memory_space<vmem>>
    %dma_wait3A_368 = arith.constant 192 : i32
    %dma_wait3A_369 = tpu.memref_slice %arg5[%dma_wait3A_368] : memref<512xi32, #tpu.memory_space<vmem>> -> memref<32xi32, #tpu.memory_space<vmem>>
    %dma_wait3A_370 = arith.constant 0 : i32
    %dma_wait3A_371 = arith.constant 0 : i32
    %dma_wait3A_372 = tpu.memref_slice %arg3[%dma_wait3A_370, %dma_wait3A_371] : memref<151936x896xf32, #tpu.memory_space<hbm>> -> memref<151936x896xf32, #tpu.memory_space<hbm>>
    tpu.wait_indirect_dma semaphore(%arg9 : memref<!tpu.dma_semaphore, #tpu.memory_space<semaphore_mem>>) src(%dma_wait3A_372 : memref<151936x896xf32, #tpu.memory_space<hbm>>) dst(%dma_wait3A_367 : memref<32x896xf32, #tpu.memory_space<vmem>>)
    %dma_start3A_373 = arith.constant 2 : i32
    %dma_start3A_374 = arith.constant 0 : i32
    %dma_start3A_375 = arith.constant 0 : i32
    %dma_start3A_376 = tpu.memref_slice %arg6[%dma_start3A_373, %dma_start3A_374, %dma_start3A_375] : memref<4x32x896xf32, #tpu.memory_space<vmem>> -> memref<1x32x896xf32, #tpu.memory_space<vmem>>
    %dma_start3A_377 = tpu.memref_squeeze %dma_start3A_376 : memref<1x32x896xf32, #tpu.memory_space<vmem>> -> memref<32x896xf32, #tpu.memory_space<vmem>>
    %dma_start3A_378 = arith.constant 192 : i32
    %dma_start3A_379 = arith.constant 0 : i32
    %dma_start3A_380 = tpu.memref_slice %arg4[%add3A, %dma_start3A_378, %dma_start3A_379] : memref<32x512x896xf32, #tpu.memory_space<hbm>> -> memref<1x32x896xf32, #tpu.memory_space<hbm>>
    %dma_start3A_381 = tpu.memref_squeeze %dma_start3A_380 : memref<1x32x896xf32, #tpu.memory_space<hbm>> -> memref<32x896xf32, #tpu.memory_space<hbm>>
    %dma_start3A_382 = arith.constant 192 : i32
    %dma_start3A_383 = arith.constant 0 : i32
    %dma_start3A_384 = tpu.memref_slice %arg4[%add3A, %dma_start3A_382, %dma_start3A_383] : memref<32x512x896xf32, #tpu.memory_space<hbm>> -> memref<1x32x896xf32, #tpu.memory_space<hbm>>
    %dma_start3A_385 = tpu.memref_squeeze %dma_start3A_384 : memref<1x32x896xf32, #tpu.memory_space<hbm>> -> memref<32x896xf32, #tpu.memory_space<hbm>>
    %dma_start3A_386 = arith.constant 0 : i32
    %dma_start3A_387 = arith.constant 0 : i32
    %dma_start3A_388 = tpu.memref_slice %arg6[%dma_start3A_373, %dma_start3A_386, %dma_start3A_387] : memref<4x32x896xf32, #tpu.memory_space<vmem>> -> memref<1x32x896xf32, #tpu.memory_space<vmem>>
    %dma_start3A_389 = tpu.memref_squeeze %dma_start3A_388 : memref<1x32x896xf32, #tpu.memory_space<vmem>> -> memref<32x896xf32, #tpu.memory_space<vmem>>
    tpu.enqueue_dma source(%dma_start3A_389 : memref<32x896xf32, #tpu.memory_space<vmem>>) target(%dma_start3A_385 : memref<32x896xf32, #tpu.memory_space<hbm>>) target_semaphore(%arg13 : memref<!tpu.dma_semaphore, #tpu.memory_space<semaphore_mem>>)
    %dma_wait3A_390 = arith.constant 2 : i32
    %dma_wait3A_391 = arith.constant 0 : i32
    %dma_wait3A_392 = arith.constant 0 : i32
    %dma_wait3A_393 = tpu.memref_slice %arg6[%dma_wait3A_390, %dma_wait3A_391, %dma_wait3A_392] : memref<4x32x896xf32, #tpu.memory_space<vmem>> -> memref<1x32x896xf32, #tpu.memory_space<vmem>>
    %dma_wait3A_394 = tpu.memref_squeeze %dma_wait3A_393 : memref<1x32x896xf32, #tpu.memory_space<vmem>> -> memref<32x896xf32, #tpu.memory_space<vmem>>
    %dma_wait3A_395 = arith.constant 192 : i32
    %dma_wait3A_396 = arith.constant 0 : i32
    %dma_wait3A_397 = tpu.memref_slice %arg4[%add3A, %dma_wait3A_395, %dma_wait3A_396] : memref<32x512x896xf32, #tpu.memory_space<hbm>> -> memref<1x32x896xf32, #tpu.memory_space<hbm>>
    %dma_wait3A_398 = tpu.memref_squeeze %dma_wait3A_397 : memref<1x32x896xf32, #tpu.memory_space<hbm>> -> memref<32x896xf32, #tpu.memory_space<hbm>>
    %dma_wait3A_399 = arith.constant 192 : i32
    %dma_wait3A_400 = arith.constant 0 : i32
    %dma_wait3A_401 = tpu.memref_slice %arg4[%add3A, %dma_wait3A_399, %dma_wait3A_400] : memref<32x512x896xf32, #tpu.memory_space<hbm>> -> memref<1x32x896xf32, #tpu.memory_space<hbm>>
    %dma_wait3A_402 = tpu.memref_squeeze %dma_wait3A_401 : memref<1x32x896xf32, #tpu.memory_space<hbm>> -> memref<32x896xf32, #tpu.memory_space<hbm>>
    %dma_wait3A_403 = arith.constant 0 : i32
    %dma_wait3A_404 = arith.constant 0 : i32
    %dma_wait3A_405 = tpu.memref_slice %arg6[%dma_wait3A_390, %dma_wait3A_403, %dma_wait3A_404] : memref<4x32x896xf32, #tpu.memory_space<vmem>> -> memref<1x32x896xf32, #tpu.memory_space<vmem>>
    %dma_wait3A_406 = tpu.memref_squeeze %dma_wait3A_405 : memref<1x32x896xf32, #tpu.memory_space<vmem>> -> memref<32x896xf32, #tpu.memory_space<vmem>>
    tpu.wait_dma2 semaphore(%arg13 : memref<!tpu.dma_semaphore, #tpu.memory_space<semaphore_mem>>) src(%dma_wait3A_406 : memref<32x896xf32, #tpu.memory_space<vmem>>) dst(%dma_wait3A_402 : memref<32x896xf32, #tpu.memory_space<hbm>>)
    %dma_start3A_407 = arith.constant 2 : i32
    %dma_start3A_408 = arith.constant 0 : i32
    %dma_start3A_409 = arith.constant 0 : i32
    %dma_start3A_410 = tpu.memref_slice %arg6[%dma_start3A_407, %dma_start3A_408, %dma_start3A_409] : memref<4x32x896xf32, #tpu.memory_space<vmem>> -> memref<1x32x896xf32, #tpu.memory_space<vmem>>
    %dma_start3A_411 = tpu.memref_squeeze %dma_start3A_410 : memref<1x32x896xf32, #tpu.memory_space<vmem>> -> memref<32x896xf32, #tpu.memory_space<vmem>>
    %dma_start3A_412 = arith.constant 320 : i32
    %dma_start3A_413 = tpu.memref_slice %arg5[%dma_start3A_412] : memref<512xi32, #tpu.memory_space<vmem>> -> memref<32xi32, #tpu.memory_space<vmem>>
    %dma_start3A_414 = arith.constant 0 : i32
    %dma_start3A_415 = arith.constant 0 : i32
    %dma_start3A_416 = tpu.memref_slice %arg3[%dma_start3A_414, %dma_start3A_415] : memref<151936x896xf32, #tpu.memory_space<hbm>> -> memref<151936x896xf32, #tpu.memory_space<hbm>>
    tpu.enqueue_indirect_dma source(%dma_start3A_416 : memref<151936x896xf32, #tpu.memory_space<hbm>>) target(%dma_start3A_411 : memref<32x896xf32, #tpu.memory_space<vmem>>) offsets(%dma_start3A_413 : memref<32xi32, #tpu.memory_space<vmem>>) semaphore(%arg9 : memref<!tpu.dma_semaphore, #tpu.memory_space<semaphore_mem>>)
    %dma_wait3A_417 = arith.constant 3 : i32
    %dma_wait3A_418 = arith.constant 0 : i32
    %dma_wait3A_419 = arith.constant 0 : i32
    %dma_wait3A_420 = tpu.memref_slice %arg6[%dma_wait3A_417, %dma_wait3A_418, %dma_wait3A_419] : memref<4x32x896xf32, #tpu.memory_space<vmem>> -> memref<1x32x896xf32, #tpu.memory_space<vmem>>
    %dma_wait3A_421 = tpu.memref_squeeze %dma_wait3A_420 : memref<1x32x896xf32, #tpu.memory_space<vmem>> -> memref<32x896xf32, #tpu.memory_space<vmem>>
    %dma_wait3A_422 = arith.constant 224 : i32
    %dma_wait3A_423 = tpu.memref_slice %arg5[%dma_wait3A_422] : memref<512xi32, #tpu.memory_space<vmem>> -> memref<32xi32, #tpu.memory_space<vmem>>
    %dma_wait3A_424 = arith.constant 0 : i32
    %dma_wait3A_425 = arith.constant 0 : i32
    %dma_wait3A_426 = tpu.memref_slice %arg3[%dma_wait3A_424, %dma_wait3A_425] : memref<151936x896xf32, #tpu.memory_space<hbm>> -> memref<151936x896xf32, #tpu.memory_space<hbm>>
    tpu.wait_indirect_dma semaphore(%arg10 : memref<!tpu.dma_semaphore, #tpu.memory_space<semaphore_mem>>) src(%dma_wait3A_426 : memref<151936x896xf32, #tpu.memory_space<hbm>>) dst(%dma_wait3A_421 : memref<32x896xf32, #tpu.memory_space<vmem>>)
    %dma_start3A_427 = arith.constant 3 : i32
    %dma_start3A_428 = arith.constant 0 : i32
    %dma_start3A_429 = arith.constant 0 : i32
    %dma_start3A_430 = tpu.memref_slice %arg6[%dma_start3A_427, %dma_start3A_428, %dma_start3A_429] : memref<4x32x896xf32, #tpu.memory_space<vmem>> -> memref<1x32x896xf32, #tpu.memory_space<vmem>>
    %dma_start3A_431 = tpu.memref_squeeze %dma_start3A_430 : memref<1x32x896xf32, #tpu.memory_space<vmem>> -> memref<32x896xf32, #tpu.memory_space<vmem>>
    %dma_start3A_432 = arith.constant 224 : i32
    %dma_start3A_433 = arith.constant 0 : i32
    %dma_start3A_434 = tpu.memref_slice %arg4[%add3A, %dma_start3A_432, %dma_start3A_433] : memref<32x512x896xf32, #tpu.memory_space<hbm>> -> memref<1x32x896xf32, #tpu.memory_space<hbm>>
    %dma_start3A_435 = tpu.memref_squeeze %dma_start3A_434 : memref<1x32x896xf32, #tpu.memory_space<hbm>> -> memref<32x896xf32, #tpu.memory_space<hbm>>
    %dma_start3A_436 = arith.constant 224 : i32
    %dma_start3A_437 = arith.constant 0 : i32
    %dma_start3A_438 = tpu.memref_slice %arg4[%add3A, %dma_start3A_436, %dma_start3A_437] : memref<32x512x896xf32, #tpu.memory_space<hbm>> -> memref<1x32x896xf32, #tpu.memory_space<hbm>>
    %dma_start3A_439 = tpu.memref_squeeze %dma_start3A_438 : memref<1x32x896xf32, #tpu.memory_space<hbm>> -> memref<32x896xf32, #tpu.memory_space<hbm>>
    %dma_start3A_440 = arith.constant 0 : i32
    %dma_start3A_441 = arith.constant 0 : i32
    %dma_start3A_442 = tpu.memref_slice %arg6[%dma_start3A_427, %dma_start3A_440, %dma_start3A_441] : memref<4x32x896xf32, #tpu.memory_space<vmem>> -> memref<1x32x896xf32, #tpu.memory_space<vmem>>
    %dma_start3A_443 = tpu.memref_squeeze %dma_start3A_442 : memref<1x32x896xf32, #tpu.memory_space<vmem>> -> memref<32x896xf32, #tpu.memory_space<vmem>>
    tpu.enqueue_dma source(%dma_start3A_443 : memref<32x896xf32, #tpu.memory_space<vmem>>) target(%dma_start3A_439 : memref<32x896xf32, #tpu.memory_space<hbm>>) target_semaphore(%arg14 : memref<!tpu.dma_semaphore, #tpu.memory_space<semaphore_mem>>)
    %dma_wait3A_444 = arith.constant 3 : i32
    %dma_wait3A_445 = arith.constant 0 : i32
    %dma_wait3A_446 = arith.constant 0 : i32
    %dma_wait3A_447 = tpu.memref_slice %arg6[%dma_wait3A_444, %dma_wait3A_445, %dma_wait3A_446] : memref<4x32x896xf32, #tpu.memory_space<vmem>> -> memref<1x32x896xf32, #tpu.memory_space<vmem>>
    %dma_wait3A_448 = tpu.memref_squeeze %dma_wait3A_447 : memref<1x32x896xf32, #tpu.memory_space<vmem>> -> memref<32x896xf32, #tpu.memory_space<vmem>>
    %dma_wait3A_449 = arith.constant 224 : i32
    %dma_wait3A_450 = arith.constant 0 : i32
    %dma_wait3A_451 = tpu.memref_slice %arg4[%add3A, %dma_wait3A_449, %dma_wait3A_450] : memref<32x512x896xf32, #tpu.memory_space<hbm>> -> memref<1x32x896xf32, #tpu.memory_space<hbm>>
    %dma_wait3A_452 = tpu.memref_squeeze %dma_wait3A_451 : memref<1x32x896xf32, #tpu.memory_space<hbm>> -> memref<32x896xf32, #tpu.memory_space<hbm>>
    %dma_wait3A_453 = arith.constant 224 : i32
    %dma_wait3A_454 = arith.constant 0 : i32
    %dma_wait3A_455 = tpu.memref_slice %arg4[%add3A, %dma_wait3A_453, %dma_wait3A_454] : memref<32x512x896xf32, #tpu.memory_space<hbm>> -> memref<1x32x896xf32, #tpu.memory_space<hbm>>
    %dma_wait3A_456 = tpu.memref_squeeze %dma_wait3A_455 : memref<1x32x896xf32, #tpu.memory_space<hbm>> -> memref<32x896xf32, #tpu.memory_space<hbm>>
    %dma_wait3A_457 = arith.constant 0 : i32
    %dma_wait3A_458 = arith.constant 0 : i32
    %dma_wait3A_459 = tpu.memref_slice %arg6[%dma_wait3A_444, %dma_wait3A_457, %dma_wait3A_458] : memref<4x32x896xf32, #tpu.memory_space<vmem>> -> memref<1x32x896xf32, #tpu.memory_space<vmem>>
    %dma_wait3A_460 = tpu.memref_squeeze %dma_wait3A_459 : memref<1x32x896xf32, #tpu.memory_space<vmem>> -> memref<32x896xf32, #tpu.memory_space<vmem>>
    tpu.wait_dma2 semaphore(%arg14 : memref<!tpu.dma_semaphore, #tpu.memory_space<semaphore_mem>>) src(%dma_wait3A_460 : memref<32x896xf32, #tpu.memory_space<vmem>>) dst(%dma_wait3A_456 : memref<32x896xf32, #tpu.memory_space<hbm>>)
    %dma_start3A_461 = arith.constant 3 : i32
    %dma_start3A_462 = arith.constant 0 : i32
    %dma_start3A_463 = arith.constant 0 : i32
    %dma_start3A_464 = tpu.memref_slice %arg6[%dma_start3A_461, %dma_start3A_462, %dma_start3A_463] : memref<4x32x896xf32, #tpu.memory_space<vmem>> -> memref<1x32x896xf32, #tpu.memory_space<vmem>>
    %dma_start3A_465 = tpu.memref_squeeze %dma_start3A_464 : memref<1x32x896xf32, #tpu.memory_space<vmem>> -> memref<32x896xf32, #tpu.memory_space<vmem>>
    %dma_start3A_466 = arith.constant 352 : i32
    %dma_start3A_467 = tpu.memref_slice %arg5[%dma_start3A_466] : memref<512xi32, #tpu.memory_space<vmem>> -> memref<32xi32, #tpu.memory_space<vmem>>
    %dma_start3A_468 = arith.constant 0 : i32
    %dma_start3A_469 = arith.constant 0 : i32
    %dma_start3A_470 = tpu.memref_slice %arg3[%dma_start3A_468, %dma_start3A_469] : memref<151936x896xf32, #tpu.memory_space<hbm>> -> memref<151936x896xf32, #tpu.memory_space<hbm>>
    tpu.enqueue_indirect_dma source(%dma_start3A_470 : memref<151936x896xf32, #tpu.memory_space<hbm>>) target(%dma_start3A_465 : memref<32x896xf32, #tpu.memory_space<vmem>>) offsets(%dma_start3A_467 : memref<32xi32, #tpu.memory_space<vmem>>) semaphore(%arg10 : memref<!tpu.dma_semaphore, #tpu.memory_space<semaphore_mem>>)
    %dma_wait3A_471 = arith.constant 0 : i32
    %dma_wait3A_472 = arith.constant 0 : i32
    %dma_wait3A_473 = arith.constant 0 : i32
    %dma_wait3A_474 = tpu.memref_slice %arg6[%dma_wait3A_471, %dma_wait3A_472, %dma_wait3A_473] : memref<4x32x896xf32, #tpu.memory_space<vmem>> -> memref<1x32x896xf32, #tpu.memory_space<vmem>>
    %dma_wait3A_475 = tpu.memref_squeeze %dma_wait3A_474 : memref<1x32x896xf32, #tpu.memory_space<vmem>> -> memref<32x896xf32, #tpu.memory_space<vmem>>
    %dma_wait3A_476 = arith.constant 256 : i32
    %dma_wait3A_477 = tpu.memref_slice %arg5[%dma_wait3A_476] : memref<512xi32, #tpu.memory_space<vmem>> -> memref<32xi32, #tpu.memory_space<vmem>>
    %dma_wait3A_478 = arith.constant 0 : i32
    %dma_wait3A_479 = arith.constant 0 : i32
    %dma_wait3A_480 = tpu.memref_slice %arg3[%dma_wait3A_478, %dma_wait3A_479] : memref<151936x896xf32, #tpu.memory_space<hbm>> -> memref<151936x896xf32, #tpu.memory_space<hbm>>
    tpu.wait_indirect_dma semaphore(%arg7 : memref<!tpu.dma_semaphore, #tpu.memory_space<semaphore_mem>>) src(%dma_wait3A_480 : memref<151936x896xf32, #tpu.memory_space<hbm>>) dst(%dma_wait3A_475 : memref<32x896xf32, #tpu.memory_space<vmem>>)
    %dma_start3A_481 = arith.constant 0 : i32
    %dma_start3A_482 = arith.constant 0 : i32
    %dma_start3A_483 = arith.constant 0 : i32
    %dma_start3A_484 = tpu.memref_slice %arg6[%dma_start3A_481, %dma_start3A_482, %dma_start3A_483] : memref<4x32x896xf32, #tpu.memory_space<vmem>> -> memref<1x32x896xf32, #tpu.memory_space<vmem>>
    %dma_start3A_485 = tpu.memref_squeeze %dma_start3A_484 : memref<1x32x896xf32, #tpu.memory_space<vmem>> -> memref<32x896xf32, #tpu.memory_space<vmem>>
    %dma_start3A_486 = arith.constant 256 : i32
    %dma_start3A_487 = arith.constant 0 : i32
    %dma_start3A_488 = tpu.memref_slice %arg4[%add3A, %dma_start3A_486, %dma_start3A_487] : memref<32x512x896xf32, #tpu.memory_space<hbm>> -> memref<1x32x896xf32, #tpu.memory_space<hbm>>
    %dma_start3A_489 = tpu.memref_squeeze %dma_start3A_488 : memref<1x32x896xf32, #tpu.memory_space<hbm>> -> memref<32x896xf32, #tpu.memory_space<hbm>>
    %dma_start3A_490 = arith.constant 256 : i32
    %dma_start3A_491 = arith.constant 0 : i32
    %dma_start3A_492 = tpu.memref_slice %arg4[%add3A, %dma_start3A_490, %dma_start3A_491] : memref<32x512x896xf32, #tpu.memory_space<hbm>> -> memref<1x32x896xf32, #tpu.memory_space<hbm>>
    %dma_start3A_493 = tpu.memref_squeeze %dma_start3A_492 : memref<1x32x896xf32, #tpu.memory_space<hbm>> -> memref<32x896xf32, #tpu.memory_space<hbm>>
    %dma_start3A_494 = arith.constant 0 : i32
    %dma_start3A_495 = arith.constant 0 : i32
    %dma_start3A_496 = tpu.memref_slice %arg6[%dma_start3A_481, %dma_start3A_494, %dma_start3A_495] : memref<4x32x896xf32, #tpu.memory_space<vmem>> -> memref<1x32x896xf32, #tpu.memory_space<vmem>>
    %dma_start3A_497 = tpu.memref_squeeze %dma_start3A_496 : memref<1x32x896xf32, #tpu.memory_space<vmem>> -> memref<32x896xf32, #tpu.memory_space<vmem>>
    tpu.enqueue_dma source(%dma_start3A_497 : memref<32x896xf32, #tpu.memory_space<vmem>>) target(%dma_start3A_493 : memref<32x896xf32, #tpu.memory_space<hbm>>) target_semaphore(%arg11 : memref<!tpu.dma_semaphore, #tpu.memory_space<semaphore_mem>>)
    %dma_wait3A_498 = arith.constant 0 : i32
    %dma_wait3A_499 = arith.constant 0 : i32
    %dma_wait3A_500 = arith.constant 0 : i32
    %dma_wait3A_501 = tpu.memref_slice %arg6[%dma_wait3A_498, %dma_wait3A_499, %dma_wait3A_500] : memref<4x32x896xf32, #tpu.memory_space<vmem>> -> memref<1x32x896xf32, #tpu.memory_space<vmem>>
    %dma_wait3A_502 = tpu.memref_squeeze %dma_wait3A_501 : memref<1x32x896xf32, #tpu.memory_space<vmem>> -> memref<32x896xf32, #tpu.memory_space<vmem>>
    %dma_wait3A_503 = arith.constant 256 : i32
    %dma_wait3A_504 = arith.constant 0 : i32
    %dma_wait3A_505 = tpu.memref_slice %arg4[%add3A, %dma_wait3A_503, %dma_wait3A_504] : memref<32x512x896xf32, #tpu.memory_space<hbm>> -> memref<1x32x896xf32, #tpu.memory_space<hbm>>
    %dma_wait3A_506 = tpu.memref_squeeze %dma_wait3A_505 : memref<1x32x896xf32, #tpu.memory_space<hbm>> -> memref<32x896xf32, #tpu.memory_space<hbm>>
    %dma_wait3A_507 = arith.constant 256 : i32
    %dma_wait3A_508 = arith.constant 0 : i32
    %dma_wait3A_509 = tpu.memref_slice %arg4[%add3A, %dma_wait3A_507, %dma_wait3A_508] : memref<32x512x896xf32, #tpu.memory_space<hbm>> -> memref<1x32x896xf32, #tpu.memory_space<hbm>>
    %dma_wait3A_510 = tpu.memref_squeeze %dma_wait3A_509 : memref<1x32x896xf32, #tpu.memory_space<hbm>> -> memref<32x896xf32, #tpu.memory_space<hbm>>
    %dma_wait3A_511 = arith.constant 0 : i32
    %dma_wait3A_512 = arith.constant 0 : i32
    %dma_wait3A_513 = tpu.memref_slice %arg6[%dma_wait3A_498, %dma_wait3A_511, %dma_wait3A_512] : memref<4x32x896xf32, #tpu.memory_space<vmem>> -> memref<1x32x896xf32, #tpu.memory_space<vmem>>
    %dma_wait3A_514 = tpu.memref_squeeze %dma_wait3A_513 : memref<1x32x896xf32, #tpu.memory_space<vmem>> -> memref<32x896xf32, #tpu.memory_space<vmem>>
    tpu.wait_dma2 semaphore(%arg11 : memref<!tpu.dma_semaphore, #tpu.memory_space<semaphore_mem>>) src(%dma_wait3A_514 : memref<32x896xf32, #tpu.memory_space<vmem>>) dst(%dma_wait3A_510 : memref<32x896xf32, #tpu.memory_space<hbm>>)
    %dma_start3A_515 = arith.constant 0 : i32
    %dma_start3A_516 = arith.constant 0 : i32
    %dma_start3A_517 = arith.constant 0 : i32
    %dma_start3A_518 = tpu.memref_slice %arg6[%dma_start3A_515, %dma_start3A_516, %dma_start3A_517] : memref<4x32x896xf32, #tpu.memory_space<vmem>> -> memref<1x32x896xf32, #tpu.memory_space<vmem>>
    %dma_start3A_519 = tpu.memref_squeeze %dma_start3A_518 : memref<1x32x896xf32, #tpu.memory_space<vmem>> -> memref<32x896xf32, #tpu.memory_space<vmem>>
    %dma_start3A_520 = arith.constant 384 : i32
    %dma_start3A_521 = tpu.memref_slice %arg5[%dma_start3A_520] : memref<512xi32, #tpu.memory_space<vmem>> -> memref<32xi32, #tpu.memory_space<vmem>>
    %dma_start3A_522 = arith.constant 0 : i32
    %dma_start3A_523 = arith.constant 0 : i32
    %dma_start3A_524 = tpu.memref_slice %arg3[%dma_start3A_522, %dma_start3A_523] : memref<151936x896xf32, #tpu.memory_space<hbm>> -> memref<151936x896xf32, #tpu.memory_space<hbm>>
    tpu.enqueue_indirect_dma source(%dma_start3A_524 : memref<151936x896xf32, #tpu.memory_space<hbm>>) target(%dma_start3A_519 : memref<32x896xf32, #tpu.memory_space<vmem>>) offsets(%dma_start3A_521 : memref<32xi32, #tpu.memory_space<vmem>>) semaphore(%arg7 : memref<!tpu.dma_semaphore, #tpu.memory_space<semaphore_mem>>)
    %dma_wait3A_525 = arith.constant 1 : i32
    %dma_wait3A_526 = arith.constant 0 : i32
    %dma_wait3A_527 = arith.constant 0 : i32
    %dma_wait3A_528 = tpu.memref_slice %arg6[%dma_wait3A_525, %dma_wait3A_526, %dma_wait3A_527] : memref<4x32x896xf32, #tpu.memory_space<vmem>> -> memref<1x32x896xf32, #tpu.memory_space<vmem>>
    %dma_wait3A_529 = tpu.memref_squeeze %dma_wait3A_528 : memref<1x32x896xf32, #tpu.memory_space<vmem>> -> memref<32x896xf32, #tpu.memory_space<vmem>>
    %dma_wait3A_530 = arith.constant 288 : i32
    %dma_wait3A_531 = tpu.memref_slice %arg5[%dma_wait3A_530] : memref<512xi32, #tpu.memory_space<vmem>> -> memref<32xi32, #tpu.memory_space<vmem>>
    %dma_wait3A_532 = arith.constant 0 : i32
    %dma_wait3A_533 = arith.constant 0 : i32
    %dma_wait3A_534 = tpu.memref_slice %arg3[%dma_wait3A_532, %dma_wait3A_533] : memref<151936x896xf32, #tpu.memory_space<hbm>> -> memref<151936x896xf32, #tpu.memory_space<hbm>>
    tpu.wait_indirect_dma semaphore(%arg8 : memref<!tpu.dma_semaphore, #tpu.memory_space<semaphore_mem>>) src(%dma_wait3A_534 : memref<151936x896xf32, #tpu.memory_space<hbm>>) dst(%dma_wait3A_529 : memref<32x896xf32, #tpu.memory_space<vmem>>)
    %dma_start3A_535 = arith.constant 1 : i32
    %dma_start3A_536 = arith.constant 0 : i32
    %dma_start3A_537 = arith.constant 0 : i32
    %dma_start3A_538 = tpu.memref_slice %arg6[%dma_start3A_535, %dma_start3A_536, %dma_start3A_537] : memref<4x32x896xf32, #tpu.memory_space<vmem>> -> memref<1x32x896xf32, #tpu.memory_space<vmem>>
    %dma_start3A_539 = tpu.memref_squeeze %dma_start3A_538 : memref<1x32x896xf32, #tpu.memory_space<vmem>> -> memref<32x896xf32, #tpu.memory_space<vmem>>
    %dma_start3A_540 = arith.constant 288 : i32
    %dma_start3A_541 = arith.constant 0 : i32
    %dma_start3A_542 = tpu.memref_slice %arg4[%add3A, %dma_start3A_540, %dma_start3A_541] : memref<32x512x896xf32, #tpu.memory_space<hbm>> -> memref<1x32x896xf32, #tpu.memory_space<hbm>>
    %dma_start3A_543 = tpu.memref_squeeze %dma_start3A_542 : memref<1x32x896xf32, #tpu.memory_space<hbm>> -> memref<32x896xf32, #tpu.memory_space<hbm>>
    %dma_start3A_544 = arith.constant 288 : i32
    %dma_start3A_545 = arith.constant 0 : i32
    %dma_start3A_546 = tpu.memref_slice %arg4[%add3A, %dma_start3A_544, %dma_start3A_545] : memref<32x512x896xf32, #tpu.memory_space<hbm>> -> memref<1x32x896xf32, #tpu.memory_space<hbm>>
    %dma_start3A_547 = tpu.memref_squeeze %dma_start3A_546 : memref<1x32x896xf32, #tpu.memory_space<hbm>> -> memref<32x896xf32, #tpu.memory_space<hbm>>
    %dma_start3A_548 = arith.constant 0 : i32
    %dma_start3A_549 = arith.constant 0 : i32
    %dma_start3A_550 = tpu.memref_slice %arg6[%dma_start3A_535, %dma_start3A_548, %dma_start3A_549] : memref<4x32x896xf32, #tpu.memory_space<vmem>> -> memref<1x32x896xf32, #tpu.memory_space<vmem>>
    %dma_start3A_551 = tpu.memref_squeeze %dma_start3A_550 : memref<1x32x896xf32, #tpu.memory_space<vmem>> -> memref<32x896xf32, #tpu.memory_space<vmem>>
    tpu.enqueue_dma source(%dma_start3A_551 : memref<32x896xf32, #tpu.memory_space<vmem>>) target(%dma_start3A_547 : memref<32x896xf32, #tpu.memory_space<hbm>>) target_semaphore(%arg12 : memref<!tpu.dma_semaphore, #tpu.memory_space<semaphore_mem>>)
    %dma_wait3A_552 = arith.constant 1 : i32
    %dma_wait3A_553 = arith.constant 0 : i32
    %dma_wait3A_554 = arith.constant 0 : i32
    %dma_wait3A_555 = tpu.memref_slice %arg6[%dma_wait3A_552, %dma_wait3A_553, %dma_wait3A_554] : memref<4x32x896xf32, #tpu.memory_space<vmem>> -> memref<1x32x896xf32, #tpu.memory_space<vmem>>
    %dma_wait3A_556 = tpu.memref_squeeze %dma_wait3A_555 : memref<1x32x896xf32, #tpu.memory_space<vmem>> -> memref<32x896xf32, #tpu.memory_space<vmem>>
    %dma_wait3A_557 = arith.constant 288 : i32
    %dma_wait3A_558 = arith.constant 0 : i32
    %dma_wait3A_559 = tpu.memref_slice %arg4[%add3A, %dma_wait3A_557, %dma_wait3A_558] : memref<32x512x896xf32, #tpu.memory_space<hbm>> -> memref<1x32x896xf32, #tpu.memory_space<hbm>>
    %dma_wait3A_560 = tpu.memref_squeeze %dma_wait3A_559 : memref<1x32x896xf32, #tpu.memory_space<hbm>> -> memref<32x896xf32, #tpu.memory_space<hbm>>
    %dma_wait3A_561 = arith.constant 288 : i32
    %dma_wait3A_562 = arith.constant 0 : i32
    %dma_wait3A_563 = tpu.memref_slice %arg4[%add3A, %dma_wait3A_561, %dma_wait3A_562] : memref<32x512x896xf32, #tpu.memory_space<hbm>> -> memref<1x32x896xf32, #tpu.memory_space<hbm>>
    %dma_wait3A_564 = tpu.memref_squeeze %dma_wait3A_563 : memref<1x32x896xf32, #tpu.memory_space<hbm>> -> memref<32x896xf32, #tpu.memory_space<hbm>>
    %dma_wait3A_565 = arith.constant 0 : i32
    %dma_wait3A_566 = arith.constant 0 : i32
    %dma_wait3A_567 = tpu.memref_slice %arg6[%dma_wait3A_552, %dma_wait3A_565, %dma_wait3A_566] : memref<4x32x896xf32, #tpu.memory_space<vmem>> -> memref<1x32x896xf32, #tpu.memory_space<vmem>>
    %dma_wait3A_568 = tpu.memref_squeeze %dma_wait3A_567 : memref<1x32x896xf32, #tpu.memory_space<vmem>> -> memref<32x896xf32, #tpu.memory_space<vmem>>
    tpu.wait_dma2 semaphore(%arg12 : memref<!tpu.dma_semaphore, #tpu.memory_space<semaphore_mem>>) src(%dma_wait3A_568 : memref<32x896xf32, #tpu.memory_space<vmem>>) dst(%dma_wait3A_564 : memref<32x896xf32, #tpu.memory_space<hbm>>)
    %dma_start3A_569 = arith.constant 1 : i32
    %dma_start3A_570 = arith.constant 0 : i32
    %dma_start3A_571 = arith.constant 0 : i32
    %dma_start3A_572 = tpu.memref_slice %arg6[%dma_start3A_569, %dma_start3A_570, %dma_start3A_571] : memref<4x32x896xf32, #tpu.memory_space<vmem>> -> memref<1x32x896xf32, #tpu.memory_space<vmem>>
    %dma_start3A_573 = tpu.memref_squeeze %dma_start3A_572 : memref<1x32x896xf32, #tpu.memory_space<vmem>> -> memref<32x896xf32, #tpu.memory_space<vmem>>
    %dma_start3A_574 = arith.constant 416 : i32
    %dma_start3A_575 = tpu.memref_slice %arg5[%dma_start3A_574] : memref<512xi32, #tpu.memory_space<vmem>> -> memref<32xi32, #tpu.memory_space<vmem>>
    %dma_start3A_576 = arith.constant 0 : i32
    %dma_start3A_577 = arith.constant 0 : i32
    %dma_start3A_578 = tpu.memref_slice %arg3[%dma_start3A_576, %dma_start3A_577] : memref<151936x896xf32, #tpu.memory_space<hbm>> -> memref<151936x896xf32, #tpu.memory_space<hbm>>
    tpu.enqueue_indirect_dma source(%dma_start3A_578 : memref<151936x896xf32, #tpu.memory_space<hbm>>) target(%dma_start3A_573 : memref<32x896xf32, #tpu.memory_space<vmem>>) offsets(%dma_start3A_575 : memref<32xi32, #tpu.memory_space<vmem>>) semaphore(%arg8 : memref<!tpu.dma_semaphore, #tpu.memory_space<semaphore_mem>>)
    %dma_wait3A_579 = arith.constant 2 : i32
    %dma_wait3A_580 = arith.constant 0 : i32
    %dma_wait3A_581 = arith.constant 0 : i32
    %dma_wait3A_582 = tpu.memref_slice %arg6[%dma_wait3A_579, %dma_wait3A_580, %dma_wait3A_581] : memref<4x32x896xf32, #tpu.memory_space<vmem>> -> memref<1x32x896xf32, #tpu.memory_space<vmem>>
    %dma_wait3A_583 = tpu.memref_squeeze %dma_wait3A_582 : memref<1x32x896xf32, #tpu.memory_space<vmem>> -> memref<32x896xf32, #tpu.memory_space<vmem>>
    %dma_wait3A_584 = arith.constant 320 : i32
    %dma_wait3A_585 = tpu.memref_slice %arg5[%dma_wait3A_584] : memref<512xi32, #tpu.memory_space<vmem>> -> memref<32xi32, #tpu.memory_space<vmem>>
    %dma_wait3A_586 = arith.constant 0 : i32
    %dma_wait3A_587 = arith.constant 0 : i32
    %dma_wait3A_588 = tpu.memref_slice %arg3[%dma_wait3A_586, %dma_wait3A_587] : memref<151936x896xf32, #tpu.memory_space<hbm>> -> memref<151936x896xf32, #tpu.memory_space<hbm>>
    tpu.wait_indirect_dma semaphore(%arg9 : memref<!tpu.dma_semaphore, #tpu.memory_space<semaphore_mem>>) src(%dma_wait3A_588 : memref<151936x896xf32, #tpu.memory_space<hbm>>) dst(%dma_wait3A_583 : memref<32x896xf32, #tpu.memory_space<vmem>>)
    %dma_start3A_589 = arith.constant 2 : i32
    %dma_start3A_590 = arith.constant 0 : i32
    %dma_start3A_591 = arith.constant 0 : i32
    %dma_start3A_592 = tpu.memref_slice %arg6[%dma_start3A_589, %dma_start3A_590, %dma_start3A_591] : memref<4x32x896xf32, #tpu.memory_space<vmem>> -> memref<1x32x896xf32, #tpu.memory_space<vmem>>
    %dma_start3A_593 = tpu.memref_squeeze %dma_start3A_592 : memref<1x32x896xf32, #tpu.memory_space<vmem>> -> memref<32x896xf32, #tpu.memory_space<vmem>>
    %dma_start3A_594 = arith.constant 320 : i32
    %dma_start3A_595 = arith.constant 0 : i32
    %dma_start3A_596 = tpu.memref_slice %arg4[%add3A, %dma_start3A_594, %dma_start3A_595] : memref<32x512x896xf32, #tpu.memory_space<hbm>> -> memref<1x32x896xf32, #tpu.memory_space<hbm>>
    %dma_start3A_597 = tpu.memref_squeeze %dma_start3A_596 : memref<1x32x896xf32, #tpu.memory_space<hbm>> -> memref<32x896xf32, #tpu.memory_space<hbm>>
    %dma_start3A_598 = arith.constant 320 : i32
    %dma_start3A_599 = arith.constant 0 : i32
    %dma_start3A_600 = tpu.memref_slice %arg4[%add3A, %dma_start3A_598, %dma_start3A_599] : memref<32x512x896xf32, #tpu.memory_space<hbm>> -> memref<1x32x896xf32, #tpu.memory_space<hbm>>
    %dma_start3A_601 = tpu.memref_squeeze %dma_start3A_600 : memref<1x32x896xf32, #tpu.memory_space<hbm>> -> memref<32x896xf32, #tpu.memory_space<hbm>>
    %dma_start3A_602 = arith.constant 0 : i32
    %dma_start3A_603 = arith.constant 0 : i32
    %dma_start3A_604 = tpu.memref_slice %arg6[%dma_start3A_589, %dma_start3A_602, %dma_start3A_603] : memref<4x32x896xf32, #tpu.memory_space<vmem>> -> memref<1x32x896xf32, #tpu.memory_space<vmem>>
    %dma_start3A_605 = tpu.memref_squeeze %dma_start3A_604 : memref<1x32x896xf32, #tpu.memory_space<vmem>> -> memref<32x896xf32, #tpu.memory_space<vmem>>
    tpu.enqueue_dma source(%dma_start3A_605 : memref<32x896xf32, #tpu.memory_space<vmem>>) target(%dma_start3A_601 : memref<32x896xf32, #tpu.memory_space<hbm>>) target_semaphore(%arg13 : memref<!tpu.dma_semaphore, #tpu.memory_space<semaphore_mem>>)
    %dma_wait3A_606 = arith.constant 2 : i32
    %dma_wait3A_607 = arith.constant 0 : i32
    %dma_wait3A_608 = arith.constant 0 : i32
    %dma_wait3A_609 = tpu.memref_slice %arg6[%dma_wait3A_606, %dma_wait3A_607, %dma_wait3A_608] : memref<4x32x896xf32, #tpu.memory_space<vmem>> -> memref<1x32x896xf32, #tpu.memory_space<vmem>>
    %dma_wait3A_610 = tpu.memref_squeeze %dma_wait3A_609 : memref<1x32x896xf32, #tpu.memory_space<vmem>> -> memref<32x896xf32, #tpu.memory_space<vmem>>
    %dma_wait3A_611 = arith.constant 320 : i32
    %dma_wait3A_612 = arith.constant 0 : i32
    %dma_wait3A_613 = tpu.memref_slice %arg4[%add3A, %dma_wait3A_611, %dma_wait3A_612] : memref<32x512x896xf32, #tpu.memory_space<hbm>> -> memref<1x32x896xf32, #tpu.memory_space<hbm>>
    %dma_wait3A_614 = tpu.memref_squeeze %dma_wait3A_613 : memref<1x32x896xf32, #tpu.memory_space<hbm>> -> memref<32x896xf32, #tpu.memory_space<hbm>>
    %dma_wait3A_615 = arith.constant 320 : i32
    %dma_wait3A_616 = arith.constant 0 : i32
    %dma_wait3A_617 = tpu.memref_slice %arg4[%add3A, %dma_wait3A_615, %dma_wait3A_616] : memref<32x512x896xf32, #tpu.memory_space<hbm>> -> memref<1x32x896xf32, #tpu.memory_space<hbm>>
    %dma_wait3A_618 = tpu.memref_squeeze %dma_wait3A_617 : memref<1x32x896xf32, #tpu.memory_space<hbm>> -> memref<32x896xf32, #tpu.memory_space<hbm>>
    %dma_wait3A_619 = arith.constant 0 : i32
    %dma_wait3A_620 = arith.constant 0 : i32
    %dma_wait3A_621 = tpu.memref_slice %arg6[%dma_wait3A_606, %dma_wait3A_619, %dma_wait3A_620] : memref<4x32x896xf32, #tpu.memory_space<vmem>> -> memref<1x32x896xf32, #tpu.memory_space<vmem>>
    %dma_wait3A_622 = tpu.memref_squeeze %dma_wait3A_621 : memref<1x32x896xf32, #tpu.memory_space<vmem>> -> memref<32x896xf32, #tpu.memory_space<vmem>>
    tpu.wait_dma2 semaphore(%arg13 : memref<!tpu.dma_semaphore, #tpu.memory_space<semaphore_mem>>) src(%dma_wait3A_622 : memref<32x896xf32, #tpu.memory_space<vmem>>) dst(%dma_wait3A_618 : memref<32x896xf32, #tpu.memory_space<hbm>>)
    %dma_start3A_623 = arith.constant 2 : i32
    %dma_start3A_624 = arith.constant 0 : i32
    %dma_start3A_625 = arith.constant 0 : i32
    %dma_start3A_626 = tpu.memref_slice %arg6[%dma_start3A_623, %dma_start3A_624, %dma_start3A_625] : memref<4x32x896xf32, #tpu.memory_space<vmem>> -> memref<1x32x896xf32, #tpu.memory_space<vmem>>
    %dma_start3A_627 = tpu.memref_squeeze %dma_start3A_626 : memref<1x32x896xf32, #tpu.memory_space<vmem>> -> memref<32x896xf32, #tpu.memory_space<vmem>>
    %dma_start3A_628 = arith.constant 448 : i32
    %dma_start3A_629 = tpu.memref_slice %arg5[%dma_start3A_628] : memref<512xi32, #tpu.memory_space<vmem>> -> memref<32xi32, #tpu.memory_space<vmem>>
    %dma_start3A_630 = arith.constant 0 : i32
    %dma_start3A_631 = arith.constant 0 : i32
    %dma_start3A_632 = tpu.memref_slice %arg3[%dma_start3A_630, %dma_start3A_631] : memref<151936x896xf32, #tpu.memory_space<hbm>> -> memref<151936x896xf32, #tpu.memory_space<hbm>>
    tpu.enqueue_indirect_dma source(%dma_start3A_632 : memref<151936x896xf32, #tpu.memory_space<hbm>>) target(%dma_start3A_627 : memref<32x896xf32, #tpu.memory_space<vmem>>) offsets(%dma_start3A_629 : memref<32xi32, #tpu.memory_space<vmem>>) semaphore(%arg9 : memref<!tpu.dma_semaphore, #tpu.memory_space<semaphore_mem>>)
    %dma_wait3A_633 = arith.constant 3 : i32
    %dma_wait3A_634 = arith.constant 0 : i32
    %dma_wait3A_635 = arith.constant 0 : i32
    %dma_wait3A_636 = tpu.memref_slice %arg6[%dma_wait3A_633, %dma_wait3A_634, %dma_wait3A_635] : memref<4x32x896xf32, #tpu.memory_space<vmem>> -> memref<1x32x896xf32, #tpu.memory_space<vmem>>
    %dma_wait3A_637 = tpu.memref_squeeze %dma_wait3A_636 : memref<1x32x896xf32, #tpu.memory_space<vmem>> -> memref<32x896xf32, #tpu.memory_space<vmem>>
    %dma_wait3A_638 = arith.constant 352 : i32
    %dma_wait3A_639 = tpu.memref_slice %arg5[%dma_wait3A_638] : memref<512xi32, #tpu.memory_space<vmem>> -> memref<32xi32, #tpu.memory_space<vmem>>
    %dma_wait3A_640 = arith.constant 0 : i32
    %dma_wait3A_641 = arith.constant 0 : i32
    %dma_wait3A_642 = tpu.memref_slice %arg3[%dma_wait3A_640, %dma_wait3A_641] : memref<151936x896xf32, #tpu.memory_space<hbm>> -> memref<151936x896xf32, #tpu.memory_space<hbm>>
    tpu.wait_indirect_dma semaphore(%arg10 : memref<!tpu.dma_semaphore, #tpu.memory_space<semaphore_mem>>) src(%dma_wait3A_642 : memref<151936x896xf32, #tpu.memory_space<hbm>>) dst(%dma_wait3A_637 : memref<32x896xf32, #tpu.memory_space<vmem>>)
    %dma_start3A_643 = arith.constant 3 : i32
    %dma_start3A_644 = arith.constant 0 : i32
    %dma_start3A_645 = arith.constant 0 : i32
    %dma_start3A_646 = tpu.memref_slice %arg6[%dma_start3A_643, %dma_start3A_644, %dma_start3A_645] : memref<4x32x896xf32, #tpu.memory_space<vmem>> -> memref<1x32x896xf32, #tpu.memory_space<vmem>>
    %dma_start3A_647 = tpu.memref_squeeze %dma_start3A_646 : memref<1x32x896xf32, #tpu.memory_space<vmem>> -> memref<32x896xf32, #tpu.memory_space<vmem>>
    %dma_start3A_648 = arith.constant 352 : i32
    %dma_start3A_649 = arith.constant 0 : i32
    %dma_start3A_650 = tpu.memref_slice %arg4[%add3A, %dma_start3A_648, %dma_start3A_649] : memref<32x512x896xf32, #tpu.memory_space<hbm>> -> memref<1x32x896xf32, #tpu.memory_space<hbm>>
    %dma_start3A_651 = tpu.memref_squeeze %dma_start3A_650 : memref<1x32x896xf32, #tpu.memory_space<hbm>> -> memref<32x896xf32, #tpu.memory_space<hbm>>
    %dma_start3A_652 = arith.constant 352 : i32
    %dma_start3A_653 = arith.constant 0 : i32
    %dma_start3A_654 = tpu.memref_slice %arg4[%add3A, %dma_start3A_652, %dma_start3A_653] : memref<32x512x896xf32, #tpu.memory_space<hbm>> -> memref<1x32x896xf32, #tpu.memory_space<hbm>>
    %dma_start3A_655 = tpu.memref_squeeze %dma_start3A_654 : memref<1x32x896xf32, #tpu.memory_space<hbm>> -> memref<32x896xf32, #tpu.memory_space<hbm>>
    %dma_start3A_656 = arith.constant 0 : i32
    %dma_start3A_657 = arith.constant 0 : i32
    %dma_start3A_658 = tpu.memref_slice %arg6[%dma_start3A_643, %dma_start3A_656, %dma_start3A_657] : memref<4x32x896xf32, #tpu.memory_space<vmem>> -> memref<1x32x896xf32, #tpu.memory_space<vmem>>
    %dma_start3A_659 = tpu.memref_squeeze %dma_start3A_658 : memref<1x32x896xf32, #tpu.memory_space<vmem>> -> memref<32x896xf32, #tpu.memory_space<vmem>>
    tpu.enqueue_dma source(%dma_start3A_659 : memref<32x896xf32, #tpu.memory_space<vmem>>) target(%dma_start3A_655 : memref<32x896xf32, #tpu.memory_space<hbm>>) target_semaphore(%arg14 : memref<!tpu.dma_semaphore, #tpu.memory_space<semaphore_mem>>)
    %dma_wait3A_660 = arith.constant 3 : i32
    %dma_wait3A_661 = arith.constant 0 : i32
    %dma_wait3A_662 = arith.constant 0 : i32
    %dma_wait3A_663 = tpu.memref_slice %arg6[%dma_wait3A_660, %dma_wait3A_661, %dma_wait3A_662] : memref<4x32x896xf32, #tpu.memory_space<vmem>> -> memref<1x32x896xf32, #tpu.memory_space<vmem>>
    %dma_wait3A_664 = tpu.memref_squeeze %dma_wait3A_663 : memref<1x32x896xf32, #tpu.memory_space<vmem>> -> memref<32x896xf32, #tpu.memory_space<vmem>>
    %dma_wait3A_665 = arith.constant 352 : i32
    %dma_wait3A_666 = arith.constant 0 : i32
    %dma_wait3A_667 = tpu.memref_slice %arg4[%add3A, %dma_wait3A_665, %dma_wait3A_666] : memref<32x512x896xf32, #tpu.memory_space<hbm>> -> memref<1x32x896xf32, #tpu.memory_space<hbm>>
    %dma_wait3A_668 = tpu.memref_squeeze %dma_wait3A_667 : memref<1x32x896xf32, #tpu.memory_space<hbm>> -> memref<32x896xf32, #tpu.memory_space<hbm>>
    %dma_wait3A_669 = arith.constant 352 : i32
    %dma_wait3A_670 = arith.constant 0 : i32
    %dma_wait3A_671 = tpu.memref_slice %arg4[%add3A, %dma_wait3A_669, %dma_wait3A_670] : memref<32x512x896xf32, #tpu.memory_space<hbm>> -> memref<1x32x896xf32, #tpu.memory_space<hbm>>
    %dma_wait3A_672 = tpu.memref_squeeze %dma_wait3A_671 : memref<1x32x896xf32, #tpu.memory_space<hbm>> -> memref<32x896xf32, #tpu.memory_space<hbm>>
    %dma_wait3A_673 = arith.constant 0 : i32
    %dma_wait3A_674 = arith.constant 0 : i32
    %dma_wait3A_675 = tpu.memref_slice %arg6[%dma_wait3A_660, %dma_wait3A_673, %dma_wait3A_674] : memref<4x32x896xf32, #tpu.memory_space<vmem>> -> memref<1x32x896xf32, #tpu.memory_space<vmem>>
    %dma_wait3A_676 = tpu.memref_squeeze %dma_wait3A_675 : memref<1x32x896xf32, #tpu.memory_space<vmem>> -> memref<32x896xf32, #tpu.memory_space<vmem>>
    tpu.wait_dma2 semaphore(%arg14 : memref<!tpu.dma_semaphore, #tpu.memory_space<semaphore_mem>>) src(%dma_wait3A_676 : memref<32x896xf32, #tpu.memory_space<vmem>>) dst(%dma_wait3A_672 : memref<32x896xf32, #tpu.memory_space<hbm>>)
    %dma_start3A_677 = arith.constant 3 : i32
    %dma_start3A_678 = arith.constant 0 : i32
    %dma_start3A_679 = arith.constant 0 : i32
    %dma_start3A_680 = tpu.memref_slice %arg6[%dma_start3A_677, %dma_start3A_678, %dma_start3A_679] : memref<4x32x896xf32, #tpu.memory_space<vmem>> -> memref<1x32x896xf32, #tpu.memory_space<vmem>>
    %dma_start3A_681 = tpu.memref_squeeze %dma_start3A_680 : memref<1x32x896xf32, #tpu.memory_space<vmem>> -> memref<32x896xf32, #tpu.memory_space<vmem>>
    %dma_start3A_682 = arith.constant 480 : i32
    %dma_start3A_683 = tpu.memref_slice %arg5[%dma_start3A_682] : memref<512xi32, #tpu.memory_space<vmem>> -> memref<32xi32, #tpu.memory_space<vmem>>
    %dma_start3A_684 = arith.constant 0 : i32
    %dma_start3A_685 = arith.constant 0 : i32
    %dma_start3A_686 = tpu.memref_slice %arg3[%dma_start3A_684, %dma_start3A_685] : memref<151936x896xf32, #tpu.memory_space<hbm>> -> memref<151936x896xf32, #tpu.memory_space<hbm>>
    tpu.enqueue_indirect_dma source(%dma_start3A_686 : memref<151936x896xf32, #tpu.memory_space<hbm>>) target(%dma_start3A_681 : memref<32x896xf32, #tpu.memory_space<vmem>>) offsets(%dma_start3A_683 : memref<32xi32, #tpu.memory_space<vmem>>) semaphore(%arg10 : memref<!tpu.dma_semaphore, #tpu.memory_space<semaphore_mem>>)
    %dma_wait3A_687 = arith.constant 0 : i32
    %dma_wait3A_688 = arith.constant 0 : i32
    %dma_wait3A_689 = arith.constant 0 : i32
    %dma_wait3A_690 = tpu.memref_slice %arg6[%dma_wait3A_687, %dma_wait3A_688, %dma_wait3A_689] : memref<4x32x896xf32, #tpu.memory_space<vmem>> -> memref<1x32x896xf32, #tpu.memory_space<vmem>>
    %dma_wait3A_691 = tpu.memref_squeeze %dma_wait3A_690 : memref<1x32x896xf32, #tpu.memory_space<vmem>> -> memref<32x896xf32, #tpu.memory_space<vmem>>
    %dma_wait3A_692 = arith.constant 384 : i32
    %dma_wait3A_693 = tpu.memref_slice %arg5[%dma_wait3A_692] : memref<512xi32, #tpu.memory_space<vmem>> -> memref<32xi32, #tpu.memory_space<vmem>>
    %dma_wait3A_694 = arith.constant 0 : i32
    %dma_wait3A_695 = arith.constant 0 : i32
    %dma_wait3A_696 = tpu.memref_slice %arg3[%dma_wait3A_694, %dma_wait3A_695] : memref<151936x896xf32, #tpu.memory_space<hbm>> -> memref<151936x896xf32, #tpu.memory_space<hbm>>
    tpu.wait_indirect_dma semaphore(%arg7 : memref<!tpu.dma_semaphore, #tpu.memory_space<semaphore_mem>>) src(%dma_wait3A_696 : memref<151936x896xf32, #tpu.memory_space<hbm>>) dst(%dma_wait3A_691 : memref<32x896xf32, #tpu.memory_space<vmem>>)
    %dma_start3A_697 = arith.constant 0 : i32
    %dma_start3A_698 = arith.constant 0 : i32
    %dma_start3A_699 = arith.constant 0 : i32
    %dma_start3A_700 = tpu.memref_slice %arg6[%dma_start3A_697, %dma_start3A_698, %dma_start3A_699] : memref<4x32x896xf32, #tpu.memory_space<vmem>> -> memref<1x32x896xf32, #tpu.memory_space<vmem>>
    %dma_start3A_701 = tpu.memref_squeeze %dma_start3A_700 : memref<1x32x896xf32, #tpu.memory_space<vmem>> -> memref<32x896xf32, #tpu.memory_space<vmem>>
    %dma_start3A_702 = arith.constant 384 : i32
    %dma_start3A_703 = arith.constant 0 : i32
    %dma_start3A_704 = tpu.memref_slice %arg4[%add3A, %dma_start3A_702, %dma_start3A_703] : memref<32x512x896xf32, #tpu.memory_space<hbm>> -> memref<1x32x896xf32, #tpu.memory_space<hbm>>
    %dma_start3A_705 = tpu.memref_squeeze %dma_start3A_704 : memref<1x32x896xf32, #tpu.memory_space<hbm>> -> memref<32x896xf32, #tpu.memory_space<hbm>>
    %dma_start3A_706 = arith.constant 384 : i32
    %dma_start3A_707 = arith.constant 0 : i32
    %dma_start3A_708 = tpu.memref_slice %arg4[%add3A, %dma_start3A_706, %dma_start3A_707] : memref<32x512x896xf32, #tpu.memory_space<hbm>> -> memref<1x32x896xf32, #tpu.memory_space<hbm>>
    %dma_start3A_709 = tpu.memref_squeeze %dma_start3A_708 : memref<1x32x896xf32, #tpu.memory_space<hbm>> -> memref<32x896xf32, #tpu.memory_space<hbm>>
    %dma_start3A_710 = arith.constant 0 : i32
    %dma_start3A_711 = arith.constant 0 : i32
    %dma_start3A_712 = tpu.memref_slice %arg6[%dma_start3A_697, %dma_start3A_710, %dma_start3A_711] : memref<4x32x896xf32, #tpu.memory_space<vmem>> -> memref<1x32x896xf32, #tpu.memory_space<vmem>>
    %dma_start3A_713 = tpu.memref_squeeze %dma_start3A_712 : memref<1x32x896xf32, #tpu.memory_space<vmem>> -> memref<32x896xf32, #tpu.memory_space<vmem>>
    tpu.enqueue_dma source(%dma_start3A_713 : memref<32x896xf32, #tpu.memory_space<vmem>>) target(%dma_start3A_709 : memref<32x896xf32, #tpu.memory_space<hbm>>) target_semaphore(%arg11 : memref<!tpu.dma_semaphore, #tpu.memory_space<semaphore_mem>>)
    %dma_wait3A_714 = arith.constant 1 : i32
    %dma_wait3A_715 = arith.constant 0 : i32
    %dma_wait3A_716 = arith.constant 0 : i32
    %dma_wait3A_717 = tpu.memref_slice %arg6[%dma_wait3A_714, %dma_wait3A_715, %dma_wait3A_716] : memref<4x32x896xf32, #tpu.memory_space<vmem>> -> memref<1x32x896xf32, #tpu.memory_space<vmem>>
    %dma_wait3A_718 = tpu.memref_squeeze %dma_wait3A_717 : memref<1x32x896xf32, #tpu.memory_space<vmem>> -> memref<32x896xf32, #tpu.memory_space<vmem>>
    %dma_wait3A_719 = arith.constant 416 : i32
    %dma_wait3A_720 = tpu.memref_slice %arg5[%dma_wait3A_719] : memref<512xi32, #tpu.memory_space<vmem>> -> memref<32xi32, #tpu.memory_space<vmem>>
    %dma_wait3A_721 = arith.constant 0 : i32
    %dma_wait3A_722 = arith.constant 0 : i32
    %dma_wait3A_723 = tpu.memref_slice %arg3[%dma_wait3A_721, %dma_wait3A_722] : memref<151936x896xf32, #tpu.memory_space<hbm>> -> memref<151936x896xf32, #tpu.memory_space<hbm>>
    tpu.wait_indirect_dma semaphore(%arg8 : memref<!tpu.dma_semaphore, #tpu.memory_space<semaphore_mem>>) src(%dma_wait3A_723 : memref<151936x896xf32, #tpu.memory_space<hbm>>) dst(%dma_wait3A_718 : memref<32x896xf32, #tpu.memory_space<vmem>>)
    %dma_start3A_724 = arith.constant 1 : i32
    %dma_start3A_725 = arith.constant 0 : i32
    %dma_start3A_726 = arith.constant 0 : i32
    %dma_start3A_727 = tpu.memref_slice %arg6[%dma_start3A_724, %dma_start3A_725, %dma_start3A_726] : memref<4x32x896xf32, #tpu.memory_space<vmem>> -> memref<1x32x896xf32, #tpu.memory_space<vmem>>
    %dma_start3A_728 = tpu.memref_squeeze %dma_start3A_727 : memref<1x32x896xf32, #tpu.memory_space<vmem>> -> memref<32x896xf32, #tpu.memory_space<vmem>>
    %dma_start3A_729 = arith.constant 416 : i32
    %dma_start3A_730 = arith.constant 0 : i32
    %dma_start3A_731 = tpu.memref_slice %arg4[%add3A, %dma_start3A_729, %dma_start3A_730] : memref<32x512x896xf32, #tpu.memory_space<hbm>> -> memref<1x32x896xf32, #tpu.memory_space<hbm>>
    %dma_start3A_732 = tpu.memref_squeeze %dma_start3A_731 : memref<1x32x896xf32, #tpu.memory_space<hbm>> -> memref<32x896xf32, #tpu.memory_space<hbm>>
    %dma_start3A_733 = arith.constant 416 : i32
    %dma_start3A_734 = arith.constant 0 : i32
    %dma_start3A_735 = tpu.memref_slice %arg4[%add3A, %dma_start3A_733, %dma_start3A_734] : memref<32x512x896xf32, #tpu.memory_space<hbm>> -> memref<1x32x896xf32, #tpu.memory_space<hbm>>
    %dma_start3A_736 = tpu.memref_squeeze %dma_start3A_735 : memref<1x32x896xf32, #tpu.memory_space<hbm>> -> memref<32x896xf32, #tpu.memory_space<hbm>>
    %dma_start3A_737 = arith.constant 0 : i32
    %dma_start3A_738 = arith.constant 0 : i32
    %dma_start3A_739 = tpu.memref_slice %arg6[%dma_start3A_724, %dma_start3A_737, %dma_start3A_738] : memref<4x32x896xf32, #tpu.memory_space<vmem>> -> memref<1x32x896xf32, #tpu.memory_space<vmem>>
    %dma_start3A_740 = tpu.memref_squeeze %dma_start3A_739 : memref<1x32x896xf32, #tpu.memory_space<vmem>> -> memref<32x896xf32, #tpu.memory_space<vmem>>
    tpu.enqueue_dma source(%dma_start3A_740 : memref<32x896xf32, #tpu.memory_space<vmem>>) target(%dma_start3A_736 : memref<32x896xf32, #tpu.memory_space<hbm>>) target_semaphore(%arg12 : memref<!tpu.dma_semaphore, #tpu.memory_space<semaphore_mem>>)
    %dma_wait3A_741 = arith.constant 2 : i32
    %dma_wait3A_742 = arith.constant 0 : i32
    %dma_wait3A_743 = arith.constant 0 : i32
    %dma_wait3A_744 = tpu.memref_slice %arg6[%dma_wait3A_741, %dma_wait3A_742, %dma_wait3A_743] : memref<4x32x896xf32, #tpu.memory_space<vmem>> -> memref<1x32x896xf32, #tpu.memory_space<vmem>>
    %dma_wait3A_745 = tpu.memref_squeeze %dma_wait3A_744 : memref<1x32x896xf32, #tpu.memory_space<vmem>> -> memref<32x896xf32, #tpu.memory_space<vmem>>
    %dma_wait3A_746 = arith.constant 448 : i32
    %dma_wait3A_747 = tpu.memref_slice %arg5[%dma_wait3A_746] : memref<512xi32, #tpu.memory_space<vmem>> -> memref<32xi32, #tpu.memory_space<vmem>>
    %dma_wait3A_748 = arith.constant 0 : i32
    %dma_wait3A_749 = arith.constant 0 : i32
    %dma_wait3A_750 = tpu.memref_slice %arg3[%dma_wait3A_748, %dma_wait3A_749] : memref<151936x896xf32, #tpu.memory_space<hbm>> -> memref<151936x896xf32, #tpu.memory_space<hbm>>
    tpu.wait_indirect_dma semaphore(%arg9 : memref<!tpu.dma_semaphore, #tpu.memory_space<semaphore_mem>>) src(%dma_wait3A_750 : memref<151936x896xf32, #tpu.memory_space<hbm>>) dst(%dma_wait3A_745 : memref<32x896xf32, #tpu.memory_space<vmem>>)
    %dma_start3A_751 = arith.constant 2 : i32
    %dma_start3A_752 = arith.constant 0 : i32
    %dma_start3A_753 = arith.constant 0 : i32
    %dma_start3A_754 = tpu.memref_slice %arg6[%dma_start3A_751, %dma_start3A_752, %dma_start3A_753] : memref<4x32x896xf32, #tpu.memory_space<vmem>> -> memref<1x32x896xf32, #tpu.memory_space<vmem>>
    %dma_start3A_755 = tpu.memref_squeeze %dma_start3A_754 : memref<1x32x896xf32, #tpu.memory_space<vmem>> -> memref<32x896xf32, #tpu.memory_space<vmem>>
    %dma_start3A_756 = arith.constant 448 : i32
    %dma_start3A_757 = arith.constant 0 : i32
    %dma_start3A_758 = tpu.memref_slice %arg4[%add3A, %dma_start3A_756, %dma_start3A_757] : memref<32x512x896xf32, #tpu.memory_space<hbm>> -> memref<1x32x896xf32, #tpu.memory_space<hbm>>
    %dma_start3A_759 = tpu.memref_squeeze %dma_start3A_758 : memref<1x32x896xf32, #tpu.memory_space<hbm>> -> memref<32x896xf32, #tpu.memory_space<hbm>>
    %dma_start3A_760 = arith.constant 448 : i32
    %dma_start3A_761 = arith.constant 0 : i32
    %dma_start3A_762 = tpu.memref_slice %arg4[%add3A, %dma_start3A_760, %dma_start3A_761] : memref<32x512x896xf32, #tpu.memory_space<hbm>> -> memref<1x32x896xf32, #tpu.memory_space<hbm>>
    %dma_start3A_763 = tpu.memref_squeeze %dma_start3A_762 : memref<1x32x896xf32, #tpu.memory_space<hbm>> -> memref<32x896xf32, #tpu.memory_space<hbm>>
    %dma_start3A_764 = arith.constant 0 : i32
    %dma_start3A_765 = arith.constant 0 : i32
    %dma_start3A_766 = tpu.memref_slice %arg6[%dma_start3A_751, %dma_start3A_764, %dma_start3A_765] : memref<4x32x896xf32, #tpu.memory_space<vmem>> -> memref<1x32x896xf32, #tpu.memory_space<vmem>>
    %dma_start3A_767 = tpu.memref_squeeze %dma_start3A_766 : memref<1x32x896xf32, #tpu.memory_space<vmem>> -> memref<32x896xf32, #tpu.memory_space<vmem>>
    tpu.enqueue_dma source(%dma_start3A_767 : memref<32x896xf32, #tpu.memory_space<vmem>>) target(%dma_start3A_763 : memref<32x896xf32, #tpu.memory_space<hbm>>) target_semaphore(%arg13 : memref<!tpu.dma_semaphore, #tpu.memory_space<semaphore_mem>>)
    %dma_wait3A_768 = arith.constant 3 : i32
    %dma_wait3A_769 = arith.constant 0 : i32
    %dma_wait3A_770 = arith.constant 0 : i32
    %dma_wait3A_771 = tpu.memref_slice %arg6[%dma_wait3A_768, %dma_wait3A_769, %dma_wait3A_770] : memref<4x32x896xf32, #tpu.memory_space<vmem>> -> memref<1x32x896xf32, #tpu.memory_space<vmem>>
    %dma_wait3A_772 = tpu.memref_squeeze %dma_wait3A_771 : memref<1x32x896xf32, #tpu.memory_space<vmem>> -> memref<32x896xf32, #tpu.memory_space<vmem>>
    %dma_wait3A_773 = arith.constant 480 : i32
    %dma_wait3A_774 = tpu.memref_slice %arg5[%dma_wait3A_773] : memref<512xi32, #tpu.memory_space<vmem>> -> memref<32xi32, #tpu.memory_space<vmem>>
    %dma_wait3A_775 = arith.constant 0 : i32
    %dma_wait3A_776 = arith.constant 0 : i32
    %dma_wait3A_777 = tpu.memref_slice %arg3[%dma_wait3A_775, %dma_wait3A_776] : memref<151936x896xf32, #tpu.memory_space<hbm>> -> memref<151936x896xf32, #tpu.memory_space<hbm>>
    tpu.wait_indirect_dma semaphore(%arg10 : memref<!tpu.dma_semaphore, #tpu.memory_space<semaphore_mem>>) src(%dma_wait3A_777 : memref<151936x896xf32, #tpu.memory_space<hbm>>) dst(%dma_wait3A_772 : memref<32x896xf32, #tpu.memory_space<vmem>>)
    %dma_start3A_778 = arith.constant 3 : i32
    %dma_start3A_779 = arith.constant 0 : i32
    %dma_start3A_780 = arith.constant 0 : i32
    %dma_start3A_781 = tpu.memref_slice %arg6[%dma_start3A_778, %dma_start3A_779, %dma_start3A_780] : memref<4x32x896xf32, #tpu.memory_space<vmem>> -> memref<1x32x896xf32, #tpu.memory_space<vmem>>
    %dma_start3A_782 = tpu.memref_squeeze %dma_start3A_781 : memref<1x32x896xf32, #tpu.memory_space<vmem>> -> memref<32x896xf32, #tpu.memory_space<vmem>>
    %dma_start3A_783 = arith.constant 480 : i32
    %dma_start3A_784 = arith.constant 0 : i32
    %dma_start3A_785 = tpu.memref_slice %arg4[%add3A, %dma_start3A_783, %dma_start3A_784] : memref<32x512x896xf32, #tpu.memory_space<hbm>> -> memref<1x32x896xf32, #tpu.memory_space<hbm>>
    %dma_start3A_786 = tpu.memref_squeeze %dma_start3A_785 : memref<1x32x896xf32, #tpu.memory_space<hbm>> -> memref<32x896xf32, #tpu.memory_space<hbm>>
    %dma_start3A_787 = arith.constant 480 : i32
    %dma_start3A_788 = arith.constant 0 : i32
    %dma_start3A_789 = tpu.memref_slice %arg4[%add3A, %dma_start3A_787, %dma_start3A_788] : memref<32x512x896xf32, #tpu.memory_space<hbm>> -> memref<1x32x896xf32, #tpu.memory_space<hbm>>
    %dma_start3A_790 = tpu.memref_squeeze %dma_start3A_789 : memref<1x32x896xf32, #tpu.memory_space<hbm>> -> memref<32x896xf32, #tpu.memory_space<hbm>>
    %dma_start3A_791 = arith.constant 0 : i32
    %dma_start3A_792 = arith.constant 0 : i32
    %dma_start3A_793 = tpu.memref_slice %arg6[%dma_start3A_778, %dma_start3A_791, %dma_start3A_792] : memref<4x32x896xf32, #tpu.memory_space<vmem>> -> memref<1x32x896xf32, #tpu.memory_space<vmem>>
    %dma_start3A_794 = tpu.memref_squeeze %dma_start3A_793 : memref<1x32x896xf32, #tpu.memory_space<vmem>> -> memref<32x896xf32, #tpu.memory_space<vmem>>
    tpu.enqueue_dma source(%dma_start3A_794 : memref<32x896xf32, #tpu.memory_space<vmem>>) target(%dma_start3A_790 : memref<32x896xf32, #tpu.memory_space<hbm>>) target_semaphore(%arg14 : memref<!tpu.dma_semaphore, #tpu.memory_space<semaphore_mem>>)
    %dma_wait3A_795 = arith.constant 0 : i32
    %dma_wait3A_796 = arith.constant 0 : i32
    %dma_wait3A_797 = arith.constant 0 : i32
    %dma_wait3A_798 = tpu.memref_slice %arg6[%dma_wait3A_795, %dma_wait3A_796, %dma_wait3A_797] : memref<4x32x896xf32, #tpu.memory_space<vmem>> -> memref<1x32x896xf32, #tpu.memory_space<vmem>>
    %dma_wait3A_799 = tpu.memref_squeeze %dma_wait3A_798 : memref<1x32x896xf32, #tpu.memory_space<vmem>> -> memref<32x896xf32, #tpu.memory_space<vmem>>
    %dma_wait3A_800 = arith.constant 384 : i32
    %dma_wait3A_801 = arith.constant 0 : i32
    %dma_wait3A_802 = tpu.memref_slice %arg4[%add3A, %dma_wait3A_800, %dma_wait3A_801] : memref<32x512x896xf32, #tpu.memory_space<hbm>> -> memref<1x32x896xf32, #tpu.memory_space<hbm>>
    %dma_wait3A_803 = tpu.memref_squeeze %dma_wait3A_802 : memref<1x32x896xf32, #tpu.memory_space<hbm>> -> memref<32x896xf32, #tpu.memory_space<hbm>>
    %dma_wait3A_804 = arith.constant 384 : i32
    %dma_wait3A_805 = arith.constant 0 : i32
    %dma_wait3A_806 = tpu.memref_slice %arg4[%add3A, %dma_wait3A_804, %dma_wait3A_805] : memref<32x512x896xf32, #tpu.memory_space<hbm>> -> memref<1x32x896xf32, #tpu.memory_space<hbm>>
    %dma_wait3A_807 = tpu.memref_squeeze %dma_wait3A_806 : memref<1x32x896xf32, #tpu.memory_space<hbm>> -> memref<32x896xf32, #tpu.memory_space<hbm>>
    %dma_wait3A_808 = arith.constant 0 : i32
    %dma_wait3A_809 = arith.constant 0 : i32
    %dma_wait3A_810 = tpu.memref_slice %arg6[%dma_wait3A_795, %dma_wait3A_808, %dma_wait3A_809] : memref<4x32x896xf32, #tpu.memory_space<vmem>> -> memref<1x32x896xf32, #tpu.memory_space<vmem>>
    %dma_wait3A_811 = tpu.memref_squeeze %dma_wait3A_810 : memref<1x32x896xf32, #tpu.memory_space<vmem>> -> memref<32x896xf32, #tpu.memory_space<vmem>>
    tpu.wait_dma2 semaphore(%arg11 : memref<!tpu.dma_semaphore, #tpu.memory_space<semaphore_mem>>) src(%dma_wait3A_811 : memref<32x896xf32, #tpu.memory_space<vmem>>) dst(%dma_wait3A_807 : memref<32x896xf32, #tpu.memory_space<hbm>>)
    %dma_wait3A_812 = arith.constant 1 : i32
    %dma_wait3A_813 = arith.constant 0 : i32
    %dma_wait3A_814 = arith.constant 0 : i32
    %dma_wait3A_815 = tpu.memref_slice %arg6[%dma_wait3A_812, %dma_wait3A_813, %dma_wait3A_814] : memref<4x32x896xf32, #tpu.memory_space<vmem>> -> memref<1x32x896xf32, #tpu.memory_space<vmem>>
    %dma_wait3A_816 = tpu.memref_squeeze %dma_wait3A_815 : memref<1x32x896xf32, #tpu.memory_space<vmem>> -> memref<32x896xf32, #tpu.memory_space<vmem>>
    %dma_wait3A_817 = arith.constant 416 : i32
    %dma_wait3A_818 = arith.constant 0 : i32
    %dma_wait3A_819 = tpu.memref_slice %arg4[%add3A, %dma_wait3A_817, %dma_wait3A_818] : memref<32x512x896xf32, #tpu.memory_space<hbm>> -> memref<1x32x896xf32, #tpu.memory_space<hbm>>
    %dma_wait3A_820 = tpu.memref_squeeze %dma_wait3A_819 : memref<1x32x896xf32, #tpu.memory_space<hbm>> -> memref<32x896xf32, #tpu.memory_space<hbm>>
    %dma_wait3A_821 = arith.constant 416 : i32
    %dma_wait3A_822 = arith.constant 0 : i32
    %dma_wait3A_823 = tpu.memref_slice %arg4[%add3A, %dma_wait3A_821, %dma_wait3A_822] : memref<32x512x896xf32, #tpu.memory_space<hbm>> -> memref<1x32x896xf32, #tpu.memory_space<hbm>>
    %dma_wait3A_824 = tpu.memref_squeeze %dma_wait3A_823 : memref<1x32x896xf32, #tpu.memory_space<hbm>> -> memref<32x896xf32, #tpu.memory_space<hbm>>
    %dma_wait3A_825 = arith.constant 0 : i32
    %dma_wait3A_826 = arith.constant 0 : i32
    %dma_wait3A_827 = tpu.memref_slice %arg6[%dma_wait3A_812, %dma_wait3A_825, %dma_wait3A_826] : memref<4x32x896xf32, #tpu.memory_space<vmem>> -> memref<1x32x896xf32, #tpu.memory_space<vmem>>
    %dma_wait3A_828 = tpu.memref_squeeze %dma_wait3A_827 : memref<1x32x896xf32, #tpu.memory_space<vmem>> -> memref<32x896xf32, #tpu.memory_space<vmem>>
    tpu.wait_dma2 semaphore(%arg12 : memref<!tpu.dma_semaphore, #tpu.memory_space<semaphore_mem>>) src(%dma_wait3A_828 : memref<32x896xf32, #tpu.memory_space<vmem>>) dst(%dma_wait3A_824 : memref<32x896xf32, #tpu.memory_space<hbm>>)
    %dma_wait3A_829 = arith.constant 2 : i32
    %dma_wait3A_830 = arith.constant 0 : i32
    %dma_wait3A_831 = arith.constant 0 : i32
    %dma_wait3A_832 = tpu.memref_slice %arg6[%dma_wait3A_829, %dma_wait3A_830, %dma_wait3A_831] : memref<4x32x896xf32, #tpu.memory_space<vmem>> -> memref<1x32x896xf32, #tpu.memory_space<vmem>>
    %dma_wait3A_833 = tpu.memref_squeeze %dma_wait3A_832 : memref<1x32x896xf32, #tpu.memory_space<vmem>> -> memref<32x896xf32, #tpu.memory_space<vmem>>
    %dma_wait3A_834 = arith.constant 448 : i32
    %dma_wait3A_835 = arith.constant 0 : i32
    %dma_wait3A_836 = tpu.memref_slice %arg4[%add3A, %dma_wait3A_834, %dma_wait3A_835] : memref<32x512x896xf32, #tpu.memory_space<hbm>> -> memref<1x32x896xf32, #tpu.memory_space<hbm>>
    %dma_wait3A_837 = tpu.memref_squeeze %dma_wait3A_836 : memref<1x32x896xf32, #tpu.memory_space<hbm>> -> memref<32x896xf32, #tpu.memory_space<hbm>>
    %dma_wait3A_838 = arith.constant 448 : i32
    %dma_wait3A_839 = arith.constant 0 : i32
    %dma_wait3A_840 = tpu.memref_slice %arg4[%add3A, %dma_wait3A_838, %dma_wait3A_839] : memref<32x512x896xf32, #tpu.memory_space<hbm>> -> memref<1x32x896xf32, #tpu.memory_space<hbm>>
    %dma_wait3A_841 = tpu.memref_squeeze %dma_wait3A_840 : memref<1x32x896xf32, #tpu.memory_space<hbm>> -> memref<32x896xf32, #tpu.memory_space<hbm>>
    %dma_wait3A_842 = arith.constant 0 : i32
    %dma_wait3A_843 = arith.constant 0 : i32
    %dma_wait3A_844 = tpu.memref_slice %arg6[%dma_wait3A_829, %dma_wait3A_842, %dma_wait3A_843] : memref<4x32x896xf32, #tpu.memory_space<vmem>> -> memref<1x32x896xf32, #tpu.memory_space<vmem>>
    %dma_wait3A_845 = tpu.memref_squeeze %dma_wait3A_844 : memref<1x32x896xf32, #tpu.memory_space<vmem>> -> memref<32x896xf32, #tpu.memory_space<vmem>>
    tpu.wait_dma2 semaphore(%arg13 : memref<!tpu.dma_semaphore, #tpu.memory_space<semaphore_mem>>) src(%dma_wait3A_845 : memref<32x896xf32, #tpu.memory_space<vmem>>) dst(%dma_wait3A_841 : memref<32x896xf32, #tpu.memory_space<hbm>>)
    %dma_wait3A_846 = arith.constant 3 : i32
    %dma_wait3A_847 = arith.constant 0 : i32
    %dma_wait3A_848 = arith.constant 0 : i32
    %dma_wait3A_849 = tpu.memref_slice %arg6[%dma_wait3A_846, %dma_wait3A_847, %dma_wait3A_848] : memref<4x32x896xf32, #tpu.memory_space<vmem>> -> memref<1x32x896xf32, #tpu.memory_space<vmem>>
    %dma_wait3A_850 = tpu.memref_squeeze %dma_wait3A_849 : memref<1x32x896xf32, #tpu.memory_space<vmem>> -> memref<32x896xf32, #tpu.memory_space<vmem>>
    %dma_wait3A_851 = arith.constant 480 : i32
    %dma_wait3A_852 = arith.constant 0 : i32
    %dma_wait3A_853 = tpu.memref_slice %arg4[%add3A, %dma_wait3A_851, %dma_wait3A_852] : memref<32x512x896xf32, #tpu.memory_space<hbm>> -> memref<1x32x896xf32, #tpu.memory_space<hbm>>
    %dma_wait3A_854 = tpu.memref_squeeze %dma_wait3A_853 : memref<1x32x896xf32, #tpu.memory_space<hbm>> -> memref<32x896xf32, #tpu.memory_space<hbm>>
    %dma_wait3A_855 = arith.constant 480 : i32
    %dma_wait3A_856 = arith.constant 0 : i32
    %dma_wait3A_857 = tpu.memref_slice %arg4[%add3A, %dma_wait3A_855, %dma_wait3A_856] : memref<32x512x896xf32, #tpu.memory_space<hbm>> -> memref<1x32x896xf32, #tpu.memory_space<hbm>>
    %dma_wait3A_858 = tpu.memref_squeeze %dma_wait3A_857 : memref<1x32x896xf32, #tpu.memory_space<hbm>> -> memref<32x896xf32, #tpu.memory_space<hbm>>
    %dma_wait3A_859 = arith.constant 0 : i32
    %dma_wait3A_860 = arith.constant 0 : i32
    %dma_wait3A_861 = tpu.memref_slice %arg6[%dma_wait3A_846, %dma_wait3A_859, %dma_wait3A_860] : memref<4x32x896xf32, #tpu.memory_space<vmem>> -> memref<1x32x896xf32, #tpu.memory_space<vmem>>
    %dma_wait3A_862 = tpu.memref_squeeze %dma_wait3A_861 : memref<1x32x896xf32, #tpu.memory_space<vmem>> -> memref<32x896xf32, #tpu.memory_space<vmem>>
    tpu.wait_dma2 semaphore(%arg14 : memref<!tpu.dma_semaphore, #tpu.memory_space<semaphore_mem>>) src(%dma_wait3A_862 : memref<32x896xf32, #tpu.memory_space<vmem>>) dst(%dma_wait3A_858 : memref<32x896xf32, #tpu.memory_space<hbm>>)
    return
  }
}

</mosaic_0001>

<sc_bundles>
// kernel: kernel.3.cloned.1.call-start
scs
__scs_entry_jumppad:
0x0: {  	(pc) =	sbr.rel $0x88, $3  }
0x1: {  	(tag) =	ssettag $0x0;
	lr =	simm.s32 $0x1  }
0x2: {  	[smem:$0x3F9F] =	sst lr;
	_ =	strace $0xD0000000  }
0x3: {  	_ = 	snop  }
0x4: {  	_ = 	snop  }
0x5: {  	_ = 	snop  }
0x6: {  	_ = 	snop  }
0x7: {  	_ = 	snop  }
__scs_overlays_trampoline_lowered:
0x8: {  	[smem:$0x3FAE] =	sst s0  }
0x9: {  	[smem:$0x3FAF] =	sst s1  }
0xa: {  	[smem:$0x3FB0] =	sst s2  }
0xb: {  	[smem:$0x3FB1] =	sst s3  }
0xc: {  	[smem:$0x3FB2] =	sst s4  }
0xd: {  	[smem:$0x3FB3] =	sst s5  }
0xe: {  	[smem:$0x3FB4] =	sst s6  }
0xf: {  	[smem:$0x3FB5] =	sst s7  }
0x10: {  	[smem:$0x3FB6] =	sst s8  }
0x11: {  	[smem:$0x3FB7] =	sst s9;
	s0 =	simm.s32 @!p0 $0x0  }
0x12: {  	s1 =	sld [smem:$0x3F9D];
	s0 =	simm.s32 @p0 $0x1  }
0x13: {  	[smem:$0x3FB8] =	sst s0;
	s0 =	simm.s32 @!p1 $0x0  }
0x14: {  	s2 =	sld [smem:$0x3F9C];
	s0 =	simm.s32 @p1 $0x1  }
0x15: {  	[smem:$0x3FB9] =	sst s0;
	s0 =	simm.s32 @!p2 $0x0  }
0x16: {  	s3 =	sld [smem:$0x3FDB];
	s0 =	simm.s32 @p2 $0x1  }
0x17: {  	s4 =	simm.s32 $0x1BF5;
	[smem:$0x3FBB] =	sst s0  }
0x18: {  	s0 =	sld [smem:$0x3F9E];
	_ =	swait.ge [sflag:s4], $0x0  }
0x19: {  	s7 =	sld [smem:$0x3F9F]  }
0x1a: {  	s8 =	sadd.s32 $0xFFFFE003, lr  }
0x1b: {  	s9 =	sadd.s32 $0xFFFFFEF7, lr;
	s5 =	simm.s32 $0xFFFFFFFF;
	p2 =	slt.u32 s8, $0xFFFFF086  }
0x1c: {  	p1 =	slt.u32 s9, $0xF7A;
	s5 =	simm.s32 @!p2 $0x0  }
0x1d: {  	s5 =	simm.s32 @p1 $0x1;
	p0 =	seq.s32 s7, s2  }
0x1e: {  	s7 =	smul.u32 @!p0 $0xF7A, s2;
	p2 =	seq.s32 @!p0 s5, $0x0  }
0x1f: {  	s9 =	smul.u32 $0xF7A, s1;
	s8 =	simm.s32 @!p0 $0x1BF5;
	p2 =	por !p2, p0  }
0x20: {  	[sflag:s8] =	ssyncset.s32 @!p0 $0xFFFFF086;
	s6 =	sadd.s32 @!p0 s3, s7;
	s7 =	simm.s32 @!p0 $0x108  }
0x21: {  	s3 =	sadd.s32 s3, s9;
	s6 =	sadd.s32 @!p0 $0x88, s6;
	s7 =	simm.s32 @p2 $0x1082  }
0x22: {  	[simem:s7], [sflag:s8] =	dma.local @!p0 [hbm:s6], $0xF7A  }
0x23: {  	s9 =	sor.u32 $0xD0000000, s2;
	s6 =	simm.s32 $0x108;
	_ =	swait.ge @!p0 [sflag:s8], $0x0  }
0x24: {  	s3 =	sadd.s32 $0x88, s3;
	s6 =	simm.s32 @!p1 $0x1082;
	[sflag:s4] =	ssyncset.s32 $0xFFFFF086  }
0x25: {  	[simem:s6], [sflag:s4] =	dma.local [hbm:s3], $0xF7A  }
0x26: {  	[smem:$0x3F9F] =	sst s1;
	(tag) =	ssettag s2;
	_ =	strace s9  }
0x27: {  	s1 =	sld [smem:$0x3FAF]  }
0x28: {  	s2 =	sld [smem:$0x3FB0]  }
0x29: {  	s4 =	sld [smem:$0x3FB2]  }
0x2a: {  	p0 =	seq.s32 s5, $0x0;
	s5 =	sld [smem:$0x3FB3]  }
0x2b: {  	s6 =	sld [smem:$0x3FB4]  }
0x2c: {  	s7 =	sld [smem:$0x3FB5]  }
0x2d: {  	s3 =	simm.s32 $0x108;
	s8 =	sld [smem:$0x3FB6]  }
0x2e: {  	s3 =	simm.s32 @!p0 $0x1082;
	s9 =	sld [smem:$0x3FB7]  }
0x2f: {  	lr =	sadd.s32 s0, s3;
	s0 =	sld [smem:$0x3FAE]  }
0x30: {  	s3 =	sld [smem:$0x3FB1]  }
0x31: {  	[smem:$0x3FBA] =	sst s10  }
0x32: {  	s10 =	sld [smem:$0x3FB8];
	_ =	sdelay $0x3  }
0x33: {  	p0 =	seq.s32 s10, $0x1;
	s10 =	sld [smem:$0x3FBA];
	_ =	sdelay $0x3  }
0x34: {  	[smem:$0x3FBA] =	sst s10  }
0x35: {  	s10 =	sld [smem:$0x3FB9];
	_ =	sdelay $0x3  }
0x36: {  	p1 =	seq.s32 s10, $0x1;
	s10 =	sld [smem:$0x3FBA];
	_ =	sdelay $0x3  }
0x37: {  	[smem:$0x3FBA] =	sst s10  }
0x38: {  	s10 =	sld [smem:$0x3FBB]  }
0x39: {  	_ = 	snop;
	(pc) =	sbr.ind lr, $3  }
0x3a: {  	_ = 	snop  }
0x3b: {  	_ = 	snop  }
0x3c: {  	p2 =	seq.s32 s10, $0x1;
	s10 =	sld [smem:$0x3FBA]  }
0x3d: {  	_ =	shalt  }
0x3e: {  	_ =	shalt  }
0x3f: {  	_ =	shalt  }
0x40: {  	_ =	shalt  }
0x41: {  	_ =	shalt  }
0x42: {  	_ =	shalt  }
0x43: {  	_ =	shalt  }
0x44: {  	_ =	shalt  }
0x45: {  	_ =	shalt  }
0x46: {  	_ =	shalt  }
0x47: {  	_ =	shalt  }
0x48: {  	_ =	shalt  }
0x49: {  	_ =	shalt  }
0x4a: {  	_ =	shalt  }
0x4b: {  	_ =	shalt  }
0x4c: {  	_ =	shalt  }
0x4d: {  	_ =	shalt  }
0x4e: {  	_ =	shalt  }
0x4f: {  	_ =	shalt  }
0x50: {  	_ =	shalt  }
0x51: {  	_ =	shalt  }
0x52: {  	_ =	shalt  }
0x53: {  	_ =	shalt  }
0x54: {  	_ =	shalt  }
0x55: {  	_ =	shalt  }
0x56: {  	_ =	shalt  }
0x57: {  	_ =	shalt  }
0x58: {  	_ =	shalt  }
0x59: {  	_ =	shalt  }
0x5a: {  	_ =	shalt  }
0x5b: {  	_ =	shalt  }
0x5c: {  	_ =	shalt  }
0x5d: {  	_ =	shalt  }
0x5e: {  	_ =	shalt  }
0x5f: {  	_ =	shalt  }
0x60: {  	_ =	shalt  }
0x61: {  	_ =	shalt  }
0x62: {  	_ =	shalt  }
0x63: {  	_ =	shalt  }
0x64: {  	_ =	shalt  }
0x65: {  	_ =	shalt  }
0x66: {  	_ =	shalt  }
0x67: {  	_ =	shalt  }
0x68: {  	_ =	shalt  }
0x69: {  	_ =	shalt  }
0x6a: {  	_ =	shalt  }
0x6b: {  	_ =	shalt  }
0x6c: {  	_ =	shalt  }
0x6d: {  	_ =	shalt  }
0x6e: {  	_ =	shalt  }
0x6f: {  	_ =	shalt  }
0x70: {  	_ =	shalt  }
0x71: {  	_ =	shalt  }
0x72: {  	_ =	shalt  }
0x73: {  	_ =	shalt  }
0x74: {  	_ =	shalt  }
0x75: {  	_ =	shalt  }
0x76: {  	_ =	shalt  }
0x77: {  	_ =	shalt  }
0x78: {  	_ =	shalt  }
0x79: {  	_ =	shalt  }
0x7a: {  	_ =	shalt  }
0x7b: {  	_ =	shalt  }
0x7c: {  	_ =	shalt  }
0x7d: {  	_ =	shalt  }
0x7e: {  	_ =	shalt  }
0x7f: {  	_ =	shalt  }
0x80: {  	_ =	shalt  }
0x81: {  	_ =	shalt  }
0x82: {  	_ =	shalt  }
0x83: {  	_ =	shalt  }
0x84: {  	_ =	shalt  }
0x85: {  	_ =	shalt  }
0x86: {  	_ =	shalt  }
0x87: {  	_ =	shalt  }
.Lfunc_end0:
.L_simem_size_0:
called_computation_lowered:
.L_overlay_start_0:
0x88: {  	s2 =	sld [smem:$0x3FD9]  }
0x89: {  	s3 =	sld [smem:$0x3FFE];
	_ =	sdelay $0x1  }
0x8a: {  	s1 =	srdreg.scid  }
0x8b: {  	s0 =	sand.u32 $0x1, s1  }
0x8c: {  	s18 =	sshll.u32 s0, $0xA;
	s2 =	sadd.s32 s3, s2  }
0x8d: {  	s2 =	sadd.s32 s2, s18  }
0x8e: {  	[smem:$0x3FC6] =	sst s2  }
0x8f: {  	_ = 	snop  }
0x90: {  	s2 =	sld [smem:$0x3FC9]  }
0x91: {  	s19 =	sld [smem:$0x3FC8]  }
0x92: {  	s4 =	sld [smem:$0x3FD0];
	(tm) =	ssettm $0x1  }
0x93: {  	s5 =	sld [smem:$0x3FFB];
	_ =	sdelay $0x3  }
0x94: {  	_ =	strace s5  }
0x95: {  	s5 =	sld [smem:$0x3FFC];
	_ =	sdelay $0x3  }
0x96: {  	_ =	strace s5  }
0x97: {  	s5 =	sld [smem:$0x3FFD];
	_ =	sdelay $0x3  }
0x98: {  	_ =	strace s5  }
0x99: {  	_ =	strace $0x8FFFFFFF  }
0x9a: {  	s20 =	sld [smem:$0x3FDB];
	_ =	sdelay $0x1  }
0x9b: {  	s6 =	simm.s32 $_scs_section_size  }
0x9c: {  	s7 =	simm.s32 $_size__tile_overlayer_lowered;
	s8 =	simm.s32 $_tile_overlayer_lowered  }
0x9d: {  	s23 =	simm.s32 $0x1BFF;
	s22 =	sshll.u32 s8, $0x1;
	s5 =	sadd.s32 s6, s20  }
0x9e: {  	s9 =	simm.s32 $0x0;
	s21 =	sshll.u32 s7, $0x1;
	s7 =	sadd.s32 s22, s5  }
0x9f: {  	[timem:s9], [sflag:s23] =	dma.local [hbm:s7], s21  }
0xa0: {  	_ =	swait.ge [sflag:s23], s21  }
0xa1: {  	s6 =	ssub.s32 $0x0, s21;
	[sflag:s23] =	ssyncset.done $0x0  }
0xa2: {  	[sflag:s23] =	ssyncadd.s32 s6;
	_ =	sdelay $0x1  }
0xa3: {  	s24 =	simm.s32 $0x1B8B  }
0xa4: {  	_ =	swait.ge [sflag:s24], $0x1  }
0xa5: {  	[sflag:s24] =	ssyncset.done $0x0  }
0xa6: {  	s25 =	simm.s32 $0x1B8E;
	[sflag:s24] =	ssyncadd.s32 $0xFFFFFFFF  }
0xa7: {  	s26 =	simm.s32 $execute0_lowered;
	[smem:$0x3FD2] =	sst s25  }
0xa8: {  	s6 =	sshll.u32 s26, $0x1;
	_ =	strace $0x80000046;
	[dreg:$0x1] =	wrdreg $0xFFFFFFFF  }
0xa9: {  	s28 =	simm.s32 $_size_execute0_lowered;
	s5 =	sadd.s32 s5, s6;
	[dreg:$0x0] =	wrdreg $0x0  }
0xaa: {  	s6 =	sshll.u32 s28, $0x1;
	[dreg:$0x2] =	wrdreg s5  }
0xab: {  	[dreg:$0x3] =	wrdreg s6  }
0xac: {  	[dreg:$0x4] =	wrdreg $0xC0  }
0xad: {  	_ =	task [dreg:s9], $0x5FFFF  }
0xae: {  	[dreg:$0x1] =	wrdreg $0xFFFFFFFF  }
0xaf: {  	[dreg:$0x0] =	wrdreg $0x60  }
0xb0: {  	[dreg:$0x2] =	wrdreg s2  }
0xb1: {  	[dreg:$0x3] =	wrdreg s19  }
0xb2: {  	[dreg:$0x4] =	wrdreg s4  }
0xb3: {  	[dreg:$0x5] =	wrdreg $0x9  }
0xb4: {  	_ =	task.clear_ibuf [dreg:s9], $0x6FFFF;
	_ =	strace $0x90000046  }
0xb5: {  	s29 =	simm.s32 $0x9;
	_ =	strace $0x80000048  }
0xb6: {  	_ =	swait.ge [sflag:s29], $0x1  }
0xb7: {  	[sflag:s29] =	ssyncadd.s32 $0xFFFFFFFF  }
0xb8: {  	_ =	strace $0x90000048  }
0xb9: {  	_ =	sfence  }
0xba: {  	s30 =	sld [smem:$0x0];
	_ =	sdelay $0x2  }
0xbb: {  	s31 =	sshll.u32 s1, $0xD;
	s1 =	sshrl.u32 s1, $0x2  }
0xbc: {  	s3 =	sand.u32 $0x4000, s31;
	s1 =	sadd.s32 s1, s30  }
0xbd: {  	s0 =	sor.u32 s3, s0;
	s1 =	sshll.u32 s1, $0x11  }
0xbe: {  	s0 =	sor.u32 s1, s0  }
0xbf: {  	s0 =	sadd.s32 $0x8F2B, s0  }
0xc0: {  	[sflag:s0] =	ssyncadd.remote.s32 $0x1  }
0xc1: {  	_ =	sfence.sel $0xFFFF  }
0xc2: {  	[dreg:$0x0] =	wrdreg $0xFFFFFFFF;
	(pc) =	sbr.abs _section_cstart, $3  }
0xc3: {  	[dreg:$0x1] =	wrdreg $0xFFFFFFFF  }
0xc4: {  	_ =	task.clear_ibuf [dreg:s9], $0x2FFFF;
	_ =	strace $0x9FFFFFFF  }
0xc5: {  	(tm) =	ssettm $0x7FFFFFFF  }
tec
execute0_lowered:
.L_overlay_start_1:
0x0: {  	(tag) =	ssettag $0x1  }
0x1: {  	s0 =	rddreg [dreg:$0x0]  }
0x2: {  	s2 =	rddreg [dreg:$0x1];
	s1 =	srdreg.scid  }
0x3: {  	s6 =	stileid.u32;
	s4 =	rddreg [dreg:$0x2]  }
0x4: {  	s28 =	simm.s32 $0x80;
	s1 =	sand.u32 $0x1, s1;
	s3 =	sshll.u32 s6, $0x1  }
0x5: {  	s29 =	simm.s32 $0x400;
	s6 =	sshll.u32 s6, $0x7;
	s5 =	sor.u32 s1, s3  }
0x6: {  	s3 =	simm.s32 $0x0;
	s6 =	sand.u32 $0x600, s6;
	s7 =	smul.u32 $0x70000, s5  }
0x7: {  	[smem:$0x7FF] =	sst s3;
	s5 =	sshll.u32 s5, $0x4;
	s0 =	sadd.s32 s0, s6  }
0x8: {  	s5 =	sand.u32 $0x70, s5;
	_ =	strace $0x80000047;
	[dreg:$0x14] =	wrdreg s28  }
0x9: {  	[dreg:$0x15] =	wrdreg s29;
	s10 =	sshrl.u32 s7, $0x3;
	s0 =	sadd.s32 s5, s0  }
0xa: {  	s6 =	sadd.s32 s4, s10;
	[dreg:$0x4] =	wrdreg s0  }
0xb: {  	s11 =	sadd.s32 $0xE00, s6;
	[dreg:$0x16] =	wrdreg s6  }
0xc: {  	s12 =	sadd.s32 $0x1C00, s6;
	[dreg:$0x5] =	wrdreg s11  }
0xd: {  	s30 =	simm.s32 $0x1;
	s13 =	sadd.s32 $0x2A00, s6;
	[dreg:$0x6] =	wrdreg s12  }
0xe: {  	s31 =	simm.s32 $0x5;
	s14 =	sadd.s32 $0x3800, s6;
	[dreg:$0x7] =	wrdreg s13  }
0xf: {  	s9 =	simm.s32 $0x7;
	s15 =	sadd.s32 $0x4600, s6;
	[dreg:$0x8] =	wrdreg s14  }
0x10: {  	s1 =	ssub.s32 $0x2, s1;
	s16 =	sadd.s32 $0x5400, s6;
	[dreg:$0x9] =	wrdreg s15  }
0x11: {  	s23 =	sshrl.u32 s1, $0x1;
	s17 =	sadd.s32 $0x6200, s6;
	[dreg:$0xa] =	wrdreg s16  }
0x12: {  	s1 =	ssub.s32 s1, s23;
	s18 =	sadd.s32 $0x7000, s6;
	[dreg:$0xb] =	wrdreg s17  }
0x13: {  	s5 =	sadd.s32 $0x100, s2;
	s19 =	sadd.s32 $0x7E00, s6;
	[dreg:$0xc] =	wrdreg s18  }
0x14: {  	s7 =	sadd.s32 $0x300, s2;
	s20 =	sadd.s32 $0x8C00, s6;
	[dreg:$0xd] =	wrdreg s19  }
0x15: {  	s8 =	smax.u32 s1, $0x1;
	s21 =	sadd.s32 $0x9A00, s6;
	[dreg:$0xe] =	wrdreg s20  }
0x16: {  	s1 =	simm.s32 $0x2;
	s22 =	sadd.s32 $0xA800, s6;
	[dreg:$0xf] =	wrdreg s21  }
0x17: {  	s0 =	simm.s32 $0x6;
	s24 =	sadd.s32 $0xB600, s6;
	[dreg:$0x10] =	wrdreg s22  }
0x18: {  	v2 =	vlaneseq.u32;
	s4 =	simm.s32 $0x3;
	s25 =	sadd.s32 $0xC400, s6;
	[dreg:$0x11] =	wrdreg s24  }
0x19: {  	vm0 =	vmmov $0xffff;
	vm1 =	vmmov $0xff;
	v1 =	vshrl.u32 v2, $0x3;
	s26 =	sadd.s32 $0xD200, s6;
	s6 =	sadd.s32 $0x200, s2;
	[dreg:$0x12] =	wrdreg s25  }
0x1a: {  	v0 =	vand.u32 $0x7, v2;
	v2 =	vor.u32 $0x8, v2;
	v1 =	vmul.u32 $0x8, v1;
	[dreg:$0x13] =	wrdreg s26;
	s12 =	simm.s32 $0x4;
	s13 =	simm.s32 $0x8  }
.LBB2_1:
0x1b: {  	s14 =	rddreg [dreg:$0x4]  }
0x1c: {  	s15 =	rddreg [dreg:$0x14]  }
0x1d: {  	s16 =	rddreg [dreg:$0x15];
	s21 =	simm.s32 $0x9  }
0x1e: {  	[tilespmem:s3], [sflag:$0x9] =	stream.strided.gather [hbm4b:s14+s15], $0x200, s16, s15, $0x38;
	[tilespmem:$0x1C200] =	vst v63  }
0x1f: {  	_ =	swait.ge [sflag:s21], $0x200  }
0x20: {  	[sflag:s21] =	ssyncset.done $0x0  }
0x21: {  	[sflag:s21] =	ssyncadd.s32 $0xFFFFFE00  }
0x22: {  	v3 =	vld [tilespmem:$0x0];
	_ =	sdelay $0x4  }
0x23: {  	v4 =	vshrl.u32 v3, $0x3  }
0x24: {  	v4 =	vmul.u32 $0x38, v4  }
0x25: {  	v3 =	vand.u32 $0x7, v3  }
0x26: {  	v3 =	vor.u32 v3, v4  }
0x27: {  	v4 =	vperm.xlane v3, v0;
	_ =	sdelay $0x1  }
0x28: {  	v4 =	vadd.s32 v1, v4;
	_ =	sdelay $0x3  }
0x29: {  	s10 =	simm.s32 $0x200  }
0x2a: {  	[tilespmem:s10], [sflag:$0x1] =	stream.indirect_vreg.gather [hbm4b:s2+s3], $0x80, v4, vm0, $0xb8;
	[tilespmem:$0x1C200] =	vst v63  }
0x2b: {  	s22 =	simm.s32 $0xA00;
	v3 =	vperm.xlane v3, v2  }
0x2c: {  	[tilespmem:s22], [sflag:$0x1] =	stream.indirect_vreg.gather [hbm4b:s5+s3], $0x80, v4, vm0, $0xb8;
	[tilespmem:$0x1C200] =	vst v63  }
0x2d: {  	s23 =	simm.s32 $0x1200;
	v3 =	vadd.s32 v1, v3  }
0x2e: {  	[tilespmem:s23], [sflag:$0x1] =	stream.indirect_vreg.gather [hbm4b:s6+s3], $0x80, v4, vm0, $0xb8;
	[tilespmem:$0x1C200] =	vst v63  }
0x2f: {  	s24 =	simm.s32 $0x1A00  }
0x30: {  	[tilespmem:s24], [sflag:$0x1] =	stream.indirect_vreg.gather [hbm4b:s7+s3], $0x80, v4, vm1, $0xb8;
	[tilespmem:$0x1C200] =	vst v63  }
0x31: {  	s26 =	simm.s32 $0x1E00  }
0x32: {  	[tilespmem:s26], [sflag:$0x1] =	stream.indirect_vreg.gather [hbm4b:s2+s3], $0x80, v3, vm0, $0xb8;
	[tilespmem:$0x1C200] =	vst v63  }
0x33: {  	s28 =	simm.s32 $0x2600  }
0x34: {  	[tilespmem:s28], [sflag:$0x1] =	stream.indirect_vreg.gather [hbm4b:s5+s3], $0x80, v3, vm0, $0xb8;
	[tilespmem:$0x1C200] =	vst v63  }
0x35: {  	s29 =	simm.s32 $0x2E00  }
0x36: {  	[tilespmem:s29], [sflag:$0x1] =	stream.indirect_vreg.gather [hbm4b:s6+s3], $0x80, v3, vm0, $0xb8;
	[tilespmem:$0x1C200] =	vst v63  }
0x37: {  	s11 =	simm.s32 $0x3600  }
0x38: {  	[tilespmem:s11], [sflag:$0x1] =	stream.indirect_vreg.gather [hbm4b:s7+s3], $0x80, v3, vm1, $0xb8;
	[tilespmem:$0x1C200] =	vst v63  }
0x39: {  	v3 =	vld [tilespmem:$0x10];
	_ =	sdelay $0x4  }
0x3a: {  	v33 =	vshrl.u32 v3, $0x3  }
0x3b: {  	v4 =	vmul.u32 $0x38, v33  }
0x3c: {  	v3 =	vand.u32 $0x7, v3  }
0x3d: {  	v3 =	vor.u32 v3, v4  }
0x3e: {  	v4 =	vperm.xlane v3, v0;
	_ =	sdelay $0x1  }
0x3f: {  	v4 =	vadd.s32 v1, v4;
	_ =	sdelay $0x3  }
0x40: {  	s14 =	simm.s32 $0x3A00  }
0x41: {  	[tilespmem:s14], [sflag:$0x1] =	stream.indirect_vreg.gather [hbm4b:s2+s3], $0x80, v4, vm0, $0xb8;
	[tilespmem:$0x1C200] =	vst v63  }
0x42: {  	s19 =	simm.s32 $0x4200;
	v3 =	vperm.xlane v3, v2  }
0x43: {  	[tilespmem:s19], [sflag:$0x1] =	stream.indirect_vreg.gather [hbm4b:s5+s3], $0x80, v4, vm0, $0xb8;
	[tilespmem:$0x1C200] =	vst v63  }
0x44: {  	s20 =	simm.s32 $0x4A00;
	v3 =	vadd.s32 v1, v3  }
0x45: {  	[tilespmem:s20], [sflag:$0x1] =	stream.indirect_vreg.gather [hbm4b:s6+s3], $0x80, v4, vm0, $0xb8;
	[tilespmem:$0x1C200] =	vst v63  }
0x46: {  	s21 =	simm.s32 $0x5200  }
0x47: {  	[tilespmem:s21], [sflag:$0x1] =	stream.indirect_vreg.gather [hbm4b:s7+s3], $0x80, v4, vm1, $0xb8;
	[tilespmem:$0x1C200] =	vst v63  }
0x48: {  	s24 =	simm.s32 $0x5600  }
0x49: {  	[tilespmem:s24], [sflag:$0x1] =	stream.indirect_vreg.gather [hbm4b:s2+s3], $0x80, v3, vm0, $0xb8;
	[tilespmem:$0x1C200] =	vst v63  }
0x4a: {  	s28 =	simm.s32 $0x5E00  }
0x4b: {  	[tilespmem:s28], [sflag:$0x1] =	stream.indirect_vreg.gather [hbm4b:s5+s3], $0x80, v3, vm0, $0xb8;
	[tilespmem:$0x1C200] =	vst v63  }
0x4c: {  	s29 =	simm.s32 $0x6600  }
0x4d: {  	[tilespmem:s29], [sflag:$0x1] =	stream.indirect_vreg.gather [hbm4b:s6+s3], $0x80, v3, vm0, $0xb8;
	[tilespmem:$0x1C200] =	vst v63  }
0x4e: {  	s11 =	simm.s32 $0x6E00  }
0x4f: {  	[tilespmem:s11], [sflag:$0x1] =	stream.indirect_vreg.gather [hbm4b:s7+s3], $0x80, v3, vm1, $0xb8;
	[tilespmem:$0x1C200] =	vst v63  }
0x50: {  	v3 =	vld [tilespmem:$0x20];
	_ =	sdelay $0x4  }
0x51: {  	v34 =	vshrl.u32 v3, $0x3  }
0x52: {  	v4 =	vmul.u32 $0x38, v34  }
0x53: {  	v3 =	vand.u32 $0x7, v3  }
0x54: {  	v3 =	vor.u32 v3, v4  }
0x55: {  	v4 =	vperm.xlane v3, v0;
	_ =	sdelay $0x1  }
0x56: {  	v4 =	vadd.s32 v1, v4;
	_ =	sdelay $0x3  }
0x57: {  	s14 =	simm.s32 $0x7200  }
0x58: {  	[tilespmem:s14], [sflag:$0x2] =	stream.indirect_vreg.gather [hbm4b:s2+s3], $0x80, v4, vm0, $0xb8;
	[tilespmem:$0x1C200] =	vst v63  }
0x59: {  	s19 =	simm.s32 $0x7A00;
	v3 =	vperm.xlane v3, v2  }
0x5a: {  	[tilespmem:s19], [sflag:$0x2] =	stream.indirect_vreg.gather [hbm4b:s5+s3], $0x80, v4, vm0, $0xb8;
	[tilespmem:$0x1C200] =	vst v63  }
0x5b: {  	s20 =	simm.s32 $0x8200;
	v3 =	vadd.s32 v1, v3  }
0x5c: {  	[tilespmem:s20], [sflag:$0x2] =	stream.indirect_vreg.gather [hbm4b:s6+s3], $0x80, v4, vm0, $0xb8;
	[tilespmem:$0x1C200] =	vst v63  }
0x5d: {  	s21 =	simm.s32 $0x8A00  }
0x5e: {  	[tilespmem:s21], [sflag:$0x2] =	stream.indirect_vreg.gather [hbm4b:s7+s3], $0x80, v4, vm1, $0xb8;
	[tilespmem:$0x1C200] =	vst v63  }
0x5f: {  	s29 =	simm.s32 $0x8E00  }
0x60: {  	[tilespmem:s29], [sflag:$0x2] =	stream.indirect_vreg.gather [hbm4b:s2+s3], $0x80, v3, vm0, $0xb8;
	[tilespmem:$0x1C200] =	vst v63  }
0x61: {  	s11 =	simm.s32 $0x9600  }
0x62: {  	[tilespmem:s11], [sflag:$0x2] =	stream.indirect_vreg.gather [hbm4b:s5+s3], $0x80, v3, vm0, $0xb8;
	[tilespmem:$0x1C200] =	vst v63  }
0x63: {  	s14 =	simm.s32 $0x9E00  }
0x64: {  	[tilespmem:s14], [sflag:$0x2] =	stream.indirect_vreg.gather [hbm4b:s6+s3], $0x80, v3, vm0, $0xb8;
	[tilespmem:$0x1C200] =	vst v63  }
0x65: {  	s19 =	simm.s32 $0xA600  }
0x66: {  	[tilespmem:s19], [sflag:$0x2] =	stream.indirect_vreg.gather [hbm4b:s7+s3], $0x80, v3, vm1, $0xb8;
	[tilespmem:$0x1C200] =	vst v63  }
0x67: {  	v3 =	vld [tilespmem:$0x30];
	_ =	sdelay $0x4  }
0x68: {  	v35 =	vshrl.u32 v3, $0x3  }
0x69: {  	v4 =	vmul.u32 $0x38, v35  }
0x6a: {  	v3 =	vand.u32 $0x7, v3  }
0x6b: {  	v3 =	vor.u32 v3, v4  }
0x6c: {  	v4 =	vperm.xlane v3, v0;
	_ =	sdelay $0x1  }
0x6d: {  	v4 =	vadd.s32 v1, v4;
	_ =	sdelay $0x3  }
0x6e: {  	s20 =	simm.s32 $0xAA00  }
0x6f: {  	[tilespmem:s20], [sflag:$0x2] =	stream.indirect_vreg.gather [hbm4b:s2+s3], $0x80, v4, vm0, $0xb8;
	[tilespmem:$0x1C200] =	vst v63  }
0x70: {  	s21 =	simm.s32 $0xB200;
	v3 =	vperm.xlane v3, v2  }
0x71: {  	[tilespmem:s21], [sflag:$0x2] =	stream.indirect_vreg.gather [hbm4b:s5+s3], $0x80, v4, vm0, $0xb8;
	[tilespmem:$0x1C200] =	vst v63  }
0x72: {  	s29 =	simm.s32 $0xBA00;
	v3 =	vadd.s32 v1, v3  }
0x73: {  	[tilespmem:s29], [sflag:$0x2] =	stream.indirect_vreg.gather [hbm4b:s6+s3], $0x80, v4, vm0, $0xb8;
	[tilespmem:$0x1C200] =	vst v63  }
0x74: {  	s11 =	simm.s32 $0xC200  }
0x75: {  	[tilespmem:s11], [sflag:$0x2] =	stream.indirect_vreg.gather [hbm4b:s7+s3], $0x80, v4, vm1, $0xb8;
	[tilespmem:$0x1C200] =	vst v63  }
0x76: {  	s14 =	simm.s32 $0xC600  }
0x77: {  	[tilespmem:s14], [sflag:$0x2] =	stream.indirect_vreg.gather [hbm4b:s2+s3], $0x80, v3, vm0, $0xb8;
	[tilespmem:$0x1C200] =	vst v63  }
0x78: {  	s29 =	simm.s32 $0xCE00  }
0x79: {  	[tilespmem:s29], [sflag:$0x2] =	stream.indirect_vreg.gather [hbm4b:s5+s3], $0x80, v3, vm0, $0xb8;
	[tilespmem:$0x1C200] =	vst v63  }
0x7a: {  	s11 =	simm.s32 $0xD600  }
0x7b: {  	[tilespmem:s11], [sflag:$0x2] =	stream.indirect_vreg.gather [hbm4b:s6+s3], $0x80, v3, vm0, $0xb8;
	[tilespmem:$0x1C200] =	vst v63  }
0x7c: {  	s14 =	simm.s32 $0xDE00  }
0x7d: {  	[tilespmem:s14], [sflag:$0x2] =	stream.indirect_vreg.gather [hbm4b:s7+s3], $0x80, v3, vm1, $0xb8;
	[tilespmem:$0x1C200] =	vst v63  }
0x7e: {  	v3 =	vld [tilespmem:$0x40];
	_ =	sdelay $0x4  }
0x7f: {  	v36 =	vshrl.u32 v3, $0x3  }
0x80: {  	v4 =	vmul.u32 $0x38, v36  }
0x81: {  	v3 =	vand.u32 $0x7, v3  }
0x82: {  	v3 =	vor.u32 v3, v4  }
0x83: {  	v4 =	vperm.xlane v3, v0;
	_ =	sdelay $0x1  }
0x84: {  	v4 =	vadd.s32 v1, v4;
	_ =	sdelay $0x3  }
0x85: {  	s29 =	simm.s32 $0xE200  }
0x86: {  	[tilespmem:s29], [sflag:$0x3] =	stream.indirect_vreg.gather [hbm4b:s2+s3], $0x80, v4, vm0, $0xb8;
	[tilespmem:$0x1C200] =	vst v63  }
0x87: {  	s11 =	simm.s32 $0xEA00;
	v3 =	vperm.xlane v3, v2  }
0x88: {  	[tilespmem:s11], [sflag:$0x3] =	stream.indirect_vreg.gather [hbm4b:s5+s3], $0x80, v4, vm0, $0xb8;
	[tilespmem:$0x1C200] =	vst v63  }
0x89: {  	v3 =	vadd.s32 v1, v3;
	s29 =	simm.s32 $0xF200  }
0x8a: {  	[tilespmem:s29], [sflag:$0x3] =	stream.indirect_vreg.gather [hbm4b:s6+s3], $0x80, v4, vm0, $0xb8;
	[tilespmem:$0x1C200] =	vst v63  }
0x8b: {  	s10 =	simm.s32 $0xFA00  }
0x8c: {  	[tilespmem:s10], [sflag:$0x3] =	stream.indirect_vreg.gather [hbm4b:s7+s3], $0x80, v4, vm1, $0xb8;
	[tilespmem:$0x1C200] =	vst v63  }
0x8d: {  	s11 =	simm.s32 $0xFE00  }
0x8e: {  	[tilespmem:s11], [sflag:$0x3] =	stream.indirect_vreg.gather [hbm4b:s2+s3], $0x80, v3, vm0, $0xb8;
	[tilespmem:$0x1C200] =	vst v63  }
0x8f: {  	s29 =	simm.s32 $0x10600  }
0x90: {  	[tilespmem:s29], [sflag:$0x3] =	stream.indirect_vreg.gather [hbm4b:s5+s3], $0x80, v3, vm0, $0xb8;
	[tilespmem:$0x1C200] =	vst v63  }
0x91: {  	s10 =	simm.s32 $0x10E00  }
0x92: {  	[tilespmem:s10], [sflag:$0x3] =	stream.indirect_vreg.gather [hbm4b:s6+s3], $0x80, v3, vm0, $0xb8;
	[tilespmem:$0x1C200] =	vst v63  }
0x93: {  	s11 =	simm.s32 $0x11600  }
0x94: {  	[tilespmem:s11], [sflag:$0x3] =	stream.indirect_vreg.gather [hbm4b:s7+s3], $0x80, v3, vm1, $0xb8;
	[tilespmem:$0x1C200] =	vst v63  }
0x95: {  	v3 =	vld [tilespmem:$0x50];
	_ =	sdelay $0x4  }
0x96: {  	v37 =	vshrl.u32 v3, $0x3  }
0x97: {  	v4 =	vmul.u32 $0x38, v37  }
0x98: {  	v3 =	vand.u32 $0x7, v3  }
0x99: {  	v3 =	vor.u32 v3, v4  }
0x9a: {  	v4 =	vperm.xlane v3, v0;
	_ =	sdelay $0x1  }
0x9b: {  	v4 =	vadd.s32 v1, v4;
	_ =	sdelay $0x3  }
0x9c: {  	s29 =	simm.s32 $0x11A00  }
0x9d: {  	[tilespmem:s29], [sflag:$0x3] =	stream.indirect_vreg.gather [hbm4b:s2+s3], $0x80, v4, vm0, $0xb8;
	[tilespmem:$0x1C200] =	vst v63  }
0x9e: {  	s10 =	simm.s32 $0x12200;
	v3 =	vperm.xlane v3, v2  }
0x9f: {  	[tilespmem:s10], [sflag:$0x3] =	stream.indirect_vreg.gather [hbm4b:s5+s3], $0x80, v4, vm0, $0xb8;
	[tilespmem:$0x1C200] =	vst v63  }
0xa0: {  	s11 =	simm.s32 $0x12A00;
	v3 =	vadd.s32 v1, v3  }
0xa1: {  	[tilespmem:s11], [sflag:$0x3] =	stream.indirect_vreg.gather [hbm4b:s6+s3], $0x80, v4, vm0, $0xb8;
	[tilespmem:$0x1C200] =	vst v63  }
0xa2: {  	s29 =	simm.s32 $0x13200  }
0xa3: {  	[tilespmem:s29], [sflag:$0x3] =	stream.indirect_vreg.gather [hbm4b:s7+s3], $0x80, v4, vm1, $0xb8;
	[tilespmem:$0x1C200] =	vst v63  }
0xa4: {  	s10 =	simm.s32 $0x13600  }
0xa5: {  	[tilespmem:s10], [sflag:$0x3] =	stream.indirect_vreg.gather [hbm4b:s2+s3], $0x80, v3, vm0, $0xb8;
	[tilespmem:$0x1C200] =	vst v63  }
0xa6: {  	s11 =	simm.s32 $0x13E00  }
0xa7: {  	[tilespmem:s11], [sflag:$0x3] =	stream.indirect_vreg.gather [hbm4b:s5+s3], $0x80, v3, vm0, $0xb8;
	[tilespmem:$0x1C200] =	vst v63  }
0xa8: {  	s29 =	simm.s32 $0x14600  }
0xa9: {  	[tilespmem:s29], [sflag:$0x3] =	stream.indirect_vreg.gather [hbm4b:s6+s3], $0x80, v3, vm0, $0xb8;
	[tilespmem:$0x1C200] =	vst v63  }
0xaa: {  	s10 =	simm.s32 $0x14E00  }
0xab: {  	[tilespmem:s10], [sflag:$0x3] =	stream.indirect_vreg.gather [hbm4b:s7+s3], $0x80, v3, vm1, $0xb8;
	[tilespmem:$0x1C200] =	vst v63  }
0xac: {  	v3 =	vld [tilespmem:$0x60];
	_ =	sdelay $0x4  }
0xad: {  	v38 =	vshrl.u32 v3, $0x3  }
0xae: {  	v4 =	vmul.u32 $0x38, v38  }
0xaf: {  	v3 =	vand.u32 $0x7, v3  }
0xb0: {  	v3 =	vor.u32 v3, v4  }
0xb1: {  	v4 =	vperm.xlane v3, v0;
	_ =	sdelay $0x1  }
0xb2: {  	v4 =	vadd.s32 v1, v4;
	_ =	sdelay $0x3  }
0xb3: {  	s10 =	simm.s32 $0x15200  }
0xb4: {  	[tilespmem:s10], [sflag:$0x4] =	stream.indirect_vreg.gather [hbm4b:s2+s3], $0x80, v4, vm0, $0xb8;
	[tilespmem:$0x1C200] =	vst v63  }
0xb5: {  	s11 =	simm.s32 $0x15A00;
	v3 =	vperm.xlane v3, v2  }
0xb6: {  	[tilespmem:s11], [sflag:$0x4] =	stream.indirect_vreg.gather [hbm4b:s5+s3], $0x80, v4, vm0, $0xb8;
	[tilespmem:$0x1C200] =	vst v63  }
0xb7: {  	s29 =	simm.s32 $0x16200;
	v3 =	vadd.s32 v1, v3  }
0xb8: {  	[tilespmem:s29], [sflag:$0x4] =	stream.indirect_vreg.gather [hbm4b:s6+s3], $0x80, v4, vm0, $0xb8;
	[tilespmem:$0x1C200] =	vst v63  }
0xb9: {  	s11 =	simm.s32 $0x16A00  }
0xba: {  	[tilespmem:s11], [sflag:$0x4] =	stream.indirect_vreg.gather [hbm4b:s7+s3], $0x80, v4, vm1, $0xb8;
	[tilespmem:$0x1C200] =	vst v63  }
0xbb: {  	s29 =	simm.s32 $0x16E00  }
0xbc: {  	[tilespmem:s29], [sflag:$0x4] =	stream.indirect_vreg.gather [hbm4b:s2+s3], $0x80, v3, vm0, $0xb8;
	[tilespmem:$0x1C200] =	vst v63  }
0xbd: {  	s11 =	simm.s32 $0x17600  }
0xbe: {  	[tilespmem:s11], [sflag:$0x4] =	stream.indirect_vreg.gather [hbm4b:s5+s3], $0x80, v3, vm0, $0xb8;
	[tilespmem:$0x1C200] =	vst v63  }
0xbf: {  	s29 =	simm.s32 $0x17E00  }
0xc0: {  	[tilespmem:s29], [sflag:$0x4] =	stream.indirect_vreg.gather [hbm4b:s6+s3], $0x80, v3, vm0, $0xb8;
	[tilespmem:$0x1C200] =	vst v63  }
0xc1: {  	s11 =	simm.s32 $0x18600  }
0xc2: {  	[tilespmem:s11], [sflag:$0x4] =	stream.indirect_vreg.gather [hbm4b:s7+s3], $0x80, v3, vm1, $0xb8;
	[tilespmem:$0x1C200] =	vst v63  }
0xc3: {  	v3 =	vld [tilespmem:$0x70];
	_ =	sdelay $0x4  }
0xc4: {  	v39 =	vshrl.u32 v3, $0x3  }
0xc5: {  	v4 =	vmul.u32 $0x38, v39  }
0xc6: {  	v3 =	vand.u32 $0x7, v3  }
0xc7: {  	v3 =	vor.u32 v3, v4  }
0xc8: {  	v4 =	vperm.xlane v3, v0;
	_ =	sdelay $0x1  }
0xc9: {  	v4 =	vadd.s32 v1, v4;
	_ =	sdelay $0x3  }
0xca: {  	s29 =	simm.s32 $0x18A00  }
0xcb: {  	[tilespmem:s29], [sflag:$0x4] =	stream.indirect_vreg.gather [hbm4b:s2+s3], $0x80, v4, vm0, $0xb8;
	[tilespmem:$0x1C200] =	vst v63  }
0xcc: {  	s11 =	simm.s32 $0x19200;
	v3 =	vperm.xlane v3, v2  }
0xcd: {  	[tilespmem:s11], [sflag:$0x4] =	stream.indirect_vreg.gather [hbm4b:s5+s3], $0x80, v4, vm0, $0xb8;
	[tilespmem:$0x1C200] =	vst v63  }
0xce: {  	v3 =	vadd.s32 v1, v3;
	s29 =	simm.s32 $0x19A00  }
0xcf: {  	[tilespmem:s29], [sflag:$0x4] =	stream.indirect_vreg.gather [hbm4b:s6+s3], $0x80, v4, vm0, $0xb8;
	[tilespmem:$0x1C200] =	vst v63  }
0xd0: {  	s11 =	simm.s32 $0x1A200  }
0xd1: {  	[tilespmem:s11], [sflag:$0x4] =	stream.indirect_vreg.gather [hbm4b:s7+s3], $0x80, v4, vm1, $0xb8;
	[tilespmem:$0x1C200] =	vst v63  }
0xd2: {  	s29 =	simm.s32 $0x1A600  }
0xd3: {  	[tilespmem:s29], [sflag:$0x4] =	stream.indirect_vreg.gather [hbm4b:s2+s3], $0x80, v3, vm0, $0xb8;
	[tilespmem:$0x1C200] =	vst v63  }
0xd4: {  	s11 =	simm.s32 $0x1AE00  }
0xd5: {  	[tilespmem:s11], [sflag:$0x4] =	stream.indirect_vreg.gather [hbm4b:s5+s3], $0x80, v3, vm0, $0xb8;
	[tilespmem:$0x1C200] =	vst v63  }
0xd6: {  	s29 =	simm.s32 $0x1B600  }
0xd7: {  	[tilespmem:s29], [sflag:$0x4] =	stream.indirect_vreg.gather [hbm4b:s6+s3], $0x80, v3, vm0, $0xb8;
	[tilespmem:$0x1C200] =	vst v63  }
0xd8: {  	s11 =	simm.s32 $0x1BE00  }
0xd9: {  	[tilespmem:s11], [sflag:$0x4] =	stream.indirect_vreg.gather [hbm4b:s7+s3], $0x80, v3, vm1, $0xb8;
	[tilespmem:$0x1C200] =	vst v63  }
0xda: {  	_ =	swait.ge [sflag:s30], $0x7000  }
0xdb: {  	[sflag:s30] =	ssyncset.done $0x0  }
0xdc: {  	s11 =	simm.s32 $0x200;
	s29 =	rddreg [dreg:$0x16];
	[sflag:s30] =	ssyncadd.s32 $0xFFFF9000  }
0xdd: {  	[hbm4b:s29+s3] =	stream.linear.scatter [tilespmem:s11], [sflag:$0x5], $0x7000, $0x38;
	[tilespmem:$0x1C200] =	vst v63  }
0xde: {  	_ =	swait.ge [sflag:s31], $0x7000  }
0xdf: {  	[sflag:s31] =	ssyncset.done $0x0  }
0xe0: {  	[sflag:s31] =	ssyncadd.s32 $0xFFFF9000  }
0xe1: {  	v3 =	vld [tilespmem:$0x80];
	_ =	sdelay $0x4  }
0xe2: {  	v40 =	vshrl.u32 v3, $0x3  }
0xe3: {  	v4 =	vmul.u32 $0x38, v40  }
0xe4: {  	v3 =	vand.u32 $0x7, v3  }
0xe5: {  	v3 =	vor.u32 v3, v4  }
0xe6: {  	v4 =	vperm.xlane v3, v0;
	_ =	sdelay $0x1  }
0xe7: {  	v4 =	vadd.s32 v1, v4;
	_ =	sdelay $0x4  }
0xe8: {  	[tilespmem:s11], [sflag:$0x1] =	stream.indirect_vreg.gather [hbm4b:s2+s3], $0x80, v4, vm0, $0xb8;
	[tilespmem:$0x1C200] =	vst v63  }
0xe9: {  	s25 =	simm.s32 $0xA00;
	v3 =	vperm.xlane v3, v2  }
0xea: {  	[tilespmem:s25], [sflag:$0x1] =	stream.indirect_vreg.gather [hbm4b:s5+s3], $0x80, v4, vm0, $0xb8;
	[tilespmem:$0x1C200] =	vst v63  }
0xeb: {  	s15 =	simm.s32 $0x1200;
	v3 =	vadd.s32 v1, v3  }
0xec: {  	[tilespmem:s15], [sflag:$0x1] =	stream.indirect_vreg.gather [hbm4b:s6+s3], $0x80, v4, vm0, $0xb8;
	[tilespmem:$0x1C200] =	vst v63  }
0xed: {  	s16 =	simm.s32 $0x1A00  }
0xee: {  	[tilespmem:s16], [sflag:$0x1] =	stream.indirect_vreg.gather [hbm4b:s7+s3], $0x80, v4, vm1, $0xb8;
	[tilespmem:$0x1C200] =	vst v63  }
0xef: {  	s17 =	simm.s32 $0x1E00  }
0xf0: {  	[tilespmem:s17], [sflag:$0x1] =	stream.indirect_vreg.gather [hbm4b:s2+s3], $0x80, v3, vm0, $0xb8;
	[tilespmem:$0x1C200] =	vst v63  }
0xf1: {  	s18 =	simm.s32 $0x2600  }
0xf2: {  	[tilespmem:s18], [sflag:$0x1] =	stream.indirect_vreg.gather [hbm4b:s5+s3], $0x80, v3, vm0, $0xb8;
	[tilespmem:$0x1C200] =	vst v63  }
0xf3: {  	s22 =	simm.s32 $0x2E00  }
0xf4: {  	[tilespmem:s22], [sflag:$0x1] =	stream.indirect_vreg.gather [hbm4b:s6+s3], $0x80, v3, vm0, $0xb8;
	[tilespmem:$0x1C200] =	vst v63  }
0xf5: {  	s26 =	simm.s32 $0x3600  }
0xf6: {  	[tilespmem:s26], [sflag:$0x1] =	stream.indirect_vreg.gather [hbm4b:s7+s3], $0x80, v3, vm1, $0xb8;
	[tilespmem:$0x1C200] =	vst v63  }
0xf7: {  	v3 =	vld [tilespmem:$0x90];
	_ =	sdelay $0x4  }
0xf8: {  	v41 =	vshrl.u32 v3, $0x3  }
0xf9: {  	v4 =	vmul.u32 $0x38, v41  }
0xfa: {  	v3 =	vand.u32 $0x7, v3  }
0xfb: {  	v3 =	vor.u32 v3, v4  }
0xfc: {  	v4 =	vperm.xlane v3, v0;
	_ =	sdelay $0x1  }
0xfd: {  	v4 =	vadd.s32 v1, v4;
	_ =	sdelay $0x3  }
0xfe: {  	s29 =	simm.s32 $0x3A00  }
0xff: {  	[tilespmem:s29], [sflag:$0x1] =	stream.indirect_vreg.gather [hbm4b:s2+s3], $0x80, v4, vm0, $0xb8;
	[tilespmem:$0x1C200] =	vst v63  }
0x100: {  	s22 =	simm.s32 $0x4200;
	v3 =	vperm.xlane v3, v2  }
0x101: {  	[tilespmem:s22], [sflag:$0x1] =	stream.indirect_vreg.gather [hbm4b:s5+s3], $0x80, v4, vm0, $0xb8;
	[tilespmem:$0x1C200] =	vst v63  }
0x102: {  	s23 =	simm.s32 $0x4A00;
	v3 =	vadd.s32 v1, v3  }
0x103: {  	[tilespmem:s23], [sflag:$0x1] =	stream.indirect_vreg.gather [hbm4b:s6+s3], $0x80, v4, vm0, $0xb8;
	[tilespmem:$0x1C200] =	vst v63  }
0x104: {  	s17 =	simm.s32 $0x5200  }
0x105: {  	[tilespmem:s17], [sflag:$0x1] =	stream.indirect_vreg.gather [hbm4b:s7+s3], $0x80, v4, vm1, $0xb8;
	[tilespmem:$0x1C200] =	vst v63  }
0x106: {  	s25 =	simm.s32 $0x5600  }
0x107: {  	[tilespmem:s25], [sflag:$0x1] =	stream.indirect_vreg.gather [hbm4b:s2+s3], $0x80, v3, vm0, $0xb8;
	[tilespmem:$0x1C200] =	vst v63  }
0x108: {  	s26 =	simm.s32 $0x5E00  }
0x109: {  	[tilespmem:s26], [sflag:$0x1] =	stream.indirect_vreg.gather [hbm4b:s5+s3], $0x80, v3, vm0, $0xb8;
	[tilespmem:$0x1C200] =	vst v63  }
0x10a: {  	s28 =	simm.s32 $0x6600  }
0x10b: {  	[tilespmem:s28], [sflag:$0x1] =	stream.indirect_vreg.gather [hbm4b:s6+s3], $0x80, v3, vm0, $0xb8;
	[tilespmem:$0x1C200] =	vst v63  }
0x10c: {  	s18 =	simm.s32 $0x6E00  }
0x10d: {  	[tilespmem:s18], [sflag:$0x1] =	stream.indirect_vreg.gather [hbm4b:s7+s3], $0x80, v3, vm1, $0xb8;
	[tilespmem:$0x1C200] =	vst v63  }
0x10e: {  	_ =	swait.ge [sflag:s1], $0x7000  }
0x10f: {  	[sflag:s1] =	ssyncset.done $0x0  }
0x110: {  	s28 =	simm.s32 $0x7200;
	s23 =	rddreg [dreg:$0x5];
	[sflag:s1] =	ssyncadd.s32 $0xFFFF9000  }
0x111: {  	[hbm4b:s23+s3] =	stream.linear.scatter [tilespmem:s28], [sflag:$0x6], $0x7000, $0x38;
	[tilespmem:$0x1C200] =	vst v63  }
0x112: {  	_ =	swait.ge [sflag:s0], $0x7000  }
0x113: {  	[sflag:s0] =	ssyncset.done $0x0  }
0x114: {  	[sflag:s0] =	ssyncadd.s32 $0xFFFF9000  }
0x115: {  	v3 =	vld [tilespmem:$0xA0];
	_ =	sdelay $0x4  }
0x116: {  	v42 =	vshrl.u32 v3, $0x3  }
0x117: {  	v4 =	vmul.u32 $0x38, v42  }
0x118: {  	v3 =	vand.u32 $0x7, v3  }
0x119: {  	v3 =	vor.u32 v3, v4  }
0x11a: {  	v4 =	vperm.xlane v3, v0;
	_ =	sdelay $0x1  }
0x11b: {  	v4 =	vadd.s32 v1, v4;
	_ =	sdelay $0x4  }
0x11c: {  	[tilespmem:s28], [sflag:$0x2] =	stream.indirect_vreg.gather [hbm4b:s2+s3], $0x80, v4, vm0, $0xb8;
	[tilespmem:$0x1C200] =	vst v63  }
0x11d: {  	s24 =	simm.s32 $0x7A00;
	v3 =	vperm.xlane v3, v2  }
0x11e: {  	[tilespmem:s24], [sflag:$0x2] =	stream.indirect_vreg.gather [hbm4b:s5+s3], $0x80, v4, vm0, $0xb8;
	[tilespmem:$0x1C200] =	vst v63  }
0x11f: {  	v3 =	vadd.s32 v1, v3;
	s24 =	simm.s32 $0x8200  }
0x120: {  	[tilespmem:s24], [sflag:$0x2] =	stream.indirect_vreg.gather [hbm4b:s6+s3], $0x80, v4, vm0, $0xb8;
	[tilespmem:$0x1C200] =	vst v63  }
0x121: {  	s28 =	simm.s32 $0x8A00  }
0x122: {  	[tilespmem:s28], [sflag:$0x2] =	stream.indirect_vreg.gather [hbm4b:s7+s3], $0x80, v4, vm1, $0xb8;
	[tilespmem:$0x1C200] =	vst v63  }
0x123: {  	s15 =	simm.s32 $0x8E00  }
0x124: {  	[tilespmem:s15], [sflag:$0x2] =	stream.indirect_vreg.gather [hbm4b:s2+s3], $0x80, v3, vm0, $0xb8;
	[tilespmem:$0x1C200] =	vst v63  }
0x125: {  	s22 =	simm.s32 $0x9600  }
0x126: {  	[tilespmem:s22], [sflag:$0x2] =	stream.indirect_vreg.gather [hbm4b:s5+s3], $0x80, v3, vm0, $0xb8;
	[tilespmem:$0x1C200] =	vst v63  }
0x127: {  	s23 =	simm.s32 $0x9E00  }
0x128: {  	[tilespmem:s23], [sflag:$0x2] =	stream.indirect_vreg.gather [hbm4b:s6+s3], $0x80, v3, vm0, $0xb8;
	[tilespmem:$0x1C200] =	vst v63  }
0x129: {  	s19 =	simm.s32 $0xA600  }
0x12a: {  	[tilespmem:s19], [sflag:$0x2] =	stream.indirect_vreg.gather [hbm4b:s7+s3], $0x80, v3, vm1, $0xb8;
	[tilespmem:$0x1C200] =	vst v63  }
0x12b: {  	v3 =	vld [tilespmem:$0xB0];
	_ =	sdelay $0x4  }
0x12c: {  	v43 =	vshrl.u32 v3, $0x3  }
0x12d: {  	v4 =	vmul.u32 $0x38, v43  }
0x12e: {  	v3 =	vand.u32 $0x7, v3  }
0x12f: {  	v3 =	vor.u32 v3, v4  }
0x130: {  	v4 =	vperm.xlane v3, v0;
	_ =	sdelay $0x1  }
0x131: {  	v4 =	vadd.s32 v1, v4;
	_ =	sdelay $0x3  }
0x132: {  	s20 =	simm.s32 $0xAA00  }
0x133: {  	[tilespmem:s20], [sflag:$0x2] =	stream.indirect_vreg.gather [hbm4b:s2+s3], $0x80, v4, vm0, $0xb8;
	[tilespmem:$0x1C200] =	vst v63  }
0x134: {  	s21 =	simm.s32 $0xB200;
	v3 =	vperm.xlane v3, v2  }
0x135: {  	[tilespmem:s21], [sflag:$0x2] =	stream.indirect_vreg.gather [hbm4b:s5+s3], $0x80, v4, vm0, $0xb8;
	[tilespmem:$0x1C200] =	vst v63  }
0x136: {  	s19 =	simm.s32 $0xBA00;
	v3 =	vadd.s32 v1, v3  }
0x137: {  	[tilespmem:s19], [sflag:$0x2] =	stream.indirect_vreg.gather [hbm4b:s6+s3], $0x80, v4, vm0, $0xb8;
	[tilespmem:$0x1C200] =	vst v63  }
0x138: {  	s20 =	simm.s32 $0xC200  }
0x139: {  	[tilespmem:s20], [sflag:$0x2] =	stream.indirect_vreg.gather [hbm4b:s7+s3], $0x80, v4, vm1, $0xb8;
	[tilespmem:$0x1C200] =	vst v63  }
0x13a: {  	s21 =	simm.s32 $0xC600  }
0x13b: {  	[tilespmem:s21], [sflag:$0x2] =	stream.indirect_vreg.gather [hbm4b:s2+s3], $0x80, v3, vm0, $0xb8;
	[tilespmem:$0x1C200] =	vst v63  }
0x13c: {  	s22 =	simm.s32 $0xCE00  }
0x13d: {  	[tilespmem:s22], [sflag:$0x2] =	stream.indirect_vreg.gather [hbm4b:s5+s3], $0x80, v3, vm0, $0xb8;
	[tilespmem:$0x1C200] =	vst v63  }
0x13e: {  	s23 =	simm.s32 $0xD600  }
0x13f: {  	[tilespmem:s23], [sflag:$0x2] =	stream.indirect_vreg.gather [hbm4b:s6+s3], $0x80, v3, vm0, $0xb8;
	[tilespmem:$0x1C200] =	vst v63  }
0x140: {  	s15 =	simm.s32 $0xDE00  }
0x141: {  	[tilespmem:s15], [sflag:$0x2] =	stream.indirect_vreg.gather [hbm4b:s7+s3], $0x80, v3, vm1, $0xb8;
	[tilespmem:$0x1C200] =	vst v63  }
0x142: {  	_ =	swait.ge [sflag:s4], $0x7000  }
0x143: {  	[sflag:s4] =	ssyncset.done $0x0  }
0x144: {  	s15 =	simm.s32 $0xE200;
	s14 =	rddreg [dreg:$0x6];
	[sflag:s4] =	ssyncadd.s32 $0xFFFF9000  }
0x145: {  	[hbm4b:s14+s3] =	stream.linear.scatter [tilespmem:s15], [sflag:$0x7], $0x7000, $0x38;
	[tilespmem:$0x1C200] =	vst v63  }
0x146: {  	_ =	swait.ge [sflag:s9], $0x7000  }
0x147: {  	[sflag:s9] =	ssyncset.done $0x0  }
0x148: {  	[sflag:s9] =	ssyncadd.s32 $0xFFFF9000  }
0x149: {  	v3 =	vld [tilespmem:$0xC0];
	_ =	sdelay $0x4  }
0x14a: {  	v44 =	vshrl.u32 v3, $0x3  }
0x14b: {  	v4 =	vmul.u32 $0x38, v44  }
0x14c: {  	v3 =	vand.u32 $0x7, v3  }
0x14d: {  	v3 =	vor.u32 v3, v4  }
0x14e: {  	v4 =	vperm.xlane v3, v0;
	_ =	sdelay $0x1  }
0x14f: {  	v4 =	vadd.s32 v1, v4;
	_ =	sdelay $0x4  }
0x150: {  	[tilespmem:s15], [sflag:$0x3] =	stream.indirect_vreg.gather [hbm4b:s2+s3], $0x80, v4, vm0, $0xb8;
	[tilespmem:$0x1C200] =	vst v63  }
0x151: {  	s14 =	simm.s32 $0xEA00;
	v3 =	vperm.xlane v3, v2  }
0x152: {  	[tilespmem:s14], [sflag:$0x3] =	stream.indirect_vreg.gather [hbm4b:s5+s3], $0x80, v4, vm0, $0xb8;
	[tilespmem:$0x1C200] =	vst v63  }
0x153: {  	v3 =	vadd.s32 v1, v3;
	s14 =	simm.s32 $0xF200  }
0x154: {  	[tilespmem:s14], [sflag:$0x3] =	stream.indirect_vreg.gather [hbm4b:s6+s3], $0x80, v4, vm0, $0xb8;
	[tilespmem:$0x1C200] =	vst v63  }
0x155: {  	s14 =	simm.s32 $0xFA00  }
0x156: {  	[tilespmem:s14], [sflag:$0x3] =	stream.indirect_vreg.gather [hbm4b:s7+s3], $0x80, v4, vm1, $0xb8;
	[tilespmem:$0x1C200] =	vst v63  }
0x157: {  	s14 =	simm.s32 $0xFE00  }
0x158: {  	[tilespmem:s14], [sflag:$0x3] =	stream.indirect_vreg.gather [hbm4b:s2+s3], $0x80, v3, vm0, $0xb8;
	[tilespmem:$0x1C200] =	vst v63  }
0x159: {  	s14 =	simm.s32 $0x10600  }
0x15a: {  	[tilespmem:s14], [sflag:$0x3] =	stream.indirect_vreg.gather [hbm4b:s5+s3], $0x80, v3, vm0, $0xb8;
	[tilespmem:$0x1C200] =	vst v63  }
0x15b: {  	s14 =	simm.s32 $0x10E00  }
0x15c: {  	[tilespmem:s14], [sflag:$0x3] =	stream.indirect_vreg.gather [hbm4b:s6+s3], $0x80, v3, vm0, $0xb8;
	[tilespmem:$0x1C200] =	vst v63  }
0x15d: {  	s14 =	simm.s32 $0x11600  }
0x15e: {  	[tilespmem:s14], [sflag:$0x3] =	stream.indirect_vreg.gather [hbm4b:s7+s3], $0x80, v3, vm1, $0xb8;
	[tilespmem:$0x1C200] =	vst v63  }
0x15f: {  	v3 =	vld [tilespmem:$0xD0];
	_ =	sdelay $0x4  }
0x160: {  	v45 =	vshrl.u32 v3, $0x3  }
0x161: {  	v4 =	vmul.u32 $0x38, v45  }
0x162: {  	v3 =	vand.u32 $0x7, v3  }
0x163: {  	v3 =	vor.u32 v3, v4  }
0x164: {  	v4 =	vperm.xlane v3, v0;
	_ =	sdelay $0x1  }
0x165: {  	v4 =	vadd.s32 v1, v4;
	_ =	sdelay $0x3  }
0x166: {  	s14 =	simm.s32 $0x11A00  }
0x167: {  	[tilespmem:s14], [sflag:$0x3] =	stream.indirect_vreg.gather [hbm4b:s2+s3], $0x80, v4, vm0, $0xb8;
	[tilespmem:$0x1C200] =	vst v63  }
0x168: {  	v3 =	vperm.xlane v3, v2;
	s14 =	simm.s32 $0x12200  }
0x169: {  	[tilespmem:s14], [sflag:$0x3] =	stream.indirect_vreg.gather [hbm4b:s5+s3], $0x80, v4, vm0, $0xb8;
	[tilespmem:$0x1C200] =	vst v63  }
0x16a: {  	v3 =	vadd.s32 v1, v3;
	s14 =	simm.s32 $0x12A00  }
0x16b: {  	[tilespmem:s14], [sflag:$0x3] =	stream.indirect_vreg.gather [hbm4b:s6+s3], $0x80, v4, vm0, $0xb8;
	[tilespmem:$0x1C200] =	vst v63  }
0x16c: {  	s14 =	simm.s32 $0x13200  }
0x16d: {  	[tilespmem:s14], [sflag:$0x3] =	stream.indirect_vreg.gather [hbm4b:s7+s3], $0x80, v4, vm1, $0xb8;
	[tilespmem:$0x1C200] =	vst v63  }
0x16e: {  	s14 =	simm.s32 $0x13600  }
0x16f: {  	[tilespmem:s14], [sflag:$0x3] =	stream.indirect_vreg.gather [hbm4b:s2+s3], $0x80, v3, vm0, $0xb8;
	[tilespmem:$0x1C200] =	vst v63  }
0x170: {  	s14 =	simm.s32 $0x13E00  }
0x171: {  	[tilespmem:s14], [sflag:$0x3] =	stream.indirect_vreg.gather [hbm4b:s5+s3], $0x80, v3, vm0, $0xb8;
	[tilespmem:$0x1C200] =	vst v63  }
0x172: {  	s14 =	simm.s32 $0x14600  }
0x173: {  	[tilespmem:s14], [sflag:$0x3] =	stream.indirect_vreg.gather [hbm4b:s6+s3], $0x80, v3, vm0, $0xb8;
	[tilespmem:$0x1C200] =	vst v63  }
0x174: {  	s14 =	simm.s32 $0x14E00  }
0x175: {  	[tilespmem:s14], [sflag:$0x3] =	stream.indirect_vreg.gather [hbm4b:s7+s3], $0x80, v3, vm1, $0xb8;
	[tilespmem:$0x1C200] =	vst v63  }
0x176: {  	_ =	swait.ge [sflag:s12], $0x7000  }
0x177: {  	[sflag:s12] =	ssyncset.done $0x0  }
0x178: {  	s14 =	rddreg [dreg:$0x7];
	[sflag:s12] =	ssyncadd.s32 $0xFFFF9000  }
0x179: {  	[hbm4b:s14+s3] =	stream.linear.scatter [tilespmem:s10], [sflag:$0x8], $0x7000, $0x38;
	[tilespmem:$0x1C200] =	vst v63  }
0x17a: {  	_ =	swait.ge [sflag:s13], $0x7000  }
0x17b: {  	[sflag:s13] =	ssyncset.done $0x0  }
0x17c: {  	[sflag:s13] =	ssyncadd.s32 $0xFFFF9000  }
0x17d: {  	v3 =	vld [tilespmem:$0xE0];
	_ =	sdelay $0x4  }
0x17e: {  	v46 =	vshrl.u32 v3, $0x3  }
0x17f: {  	v4 =	vmul.u32 $0x38, v46  }
0x180: {  	v3 =	vand.u32 $0x7, v3  }
0x181: {  	v3 =	vor.u32 v3, v4  }
0x182: {  	v4 =	vperm.xlane v3, v0;
	_ =	sdelay $0x1  }
0x183: {  	v4 =	vadd.s32 v1, v4;
	_ =	sdelay $0x4  }
0x184: {  	[tilespmem:s10], [sflag:$0x4] =	stream.indirect_vreg.gather [hbm4b:s2+s3], $0x80, v4, vm0, $0xb8;
	[tilespmem:$0x1C200] =	vst v63  }
0x185: {  	s14 =	simm.s32 $0x15A00;
	v3 =	vperm.xlane v3, v2  }
0x186: {  	[tilespmem:s14], [sflag:$0x4] =	stream.indirect_vreg.gather [hbm4b:s5+s3], $0x80, v4, vm0, $0xb8;
	[tilespmem:$0x1C200] =	vst v63  }
0x187: {  	v3 =	vadd.s32 v1, v3;
	s14 =	simm.s32 $0x16200  }
0x188: {  	[tilespmem:s14], [sflag:$0x4] =	stream.indirect_vreg.gather [hbm4b:s6+s3], $0x80, v4, vm0, $0xb8;
	[tilespmem:$0x1C200] =	vst v63  }
0x189: {  	s14 =	simm.s32 $0x16A00  }
0x18a: {  	[tilespmem:s14], [sflag:$0x4] =	stream.indirect_vreg.gather [hbm4b:s7+s3], $0x80, v4, vm1, $0xb8;
	[tilespmem:$0x1C200] =	vst v63  }
0x18b: {  	s14 =	simm.s32 $0x16E00  }
0x18c: {  	[tilespmem:s14], [sflag:$0x4] =	stream.indirect_vreg.gather [hbm4b:s2+s3], $0x80, v3, vm0, $0xb8;
	[tilespmem:$0x1C200] =	vst v63  }
0x18d: {  	s14 =	simm.s32 $0x17600  }
0x18e: {  	[tilespmem:s14], [sflag:$0x4] =	stream.indirect_vreg.gather [hbm4b:s5+s3], $0x80, v3, vm0, $0xb8;
	[tilespmem:$0x1C200] =	vst v63  }
0x18f: {  	s14 =	simm.s32 $0x17E00  }
0x190: {  	[tilespmem:s14], [sflag:$0x4] =	stream.indirect_vreg.gather [hbm4b:s6+s3], $0x80, v3, vm0, $0xb8;
	[tilespmem:$0x1C200] =	vst v63  }
0x191: {  	s14 =	simm.s32 $0x18600  }
0x192: {  	[tilespmem:s14], [sflag:$0x4] =	stream.indirect_vreg.gather [hbm4b:s7+s3], $0x80, v3, vm1, $0xb8;
	[tilespmem:$0x1C200] =	vst v63  }
0x193: {  	v3 =	vld [tilespmem:$0xF0];
	_ =	sdelay $0x4  }
0x194: {  	v47 =	vshrl.u32 v3, $0x3  }
0x195: {  	v4 =	vmul.u32 $0x38, v47  }
0x196: {  	v3 =	vand.u32 $0x7, v3  }
0x197: {  	v3 =	vor.u32 v3, v4  }
0x198: {  	v4 =	vperm.xlane v3, v0;
	_ =	sdelay $0x1  }
0x199: {  	v4 =	vadd.s32 v1, v4;
	_ =	sdelay $0x3  }
0x19a: {  	s14 =	simm.s32 $0x18A00  }
0x19b: {  	[tilespmem:s14], [sflag:$0x4] =	stream.indirect_vreg.gather [hbm4b:s2+s3], $0x80, v4, vm0, $0xb8;
	[tilespmem:$0x1C200] =	vst v63  }
0x19c: {  	v3 =	vperm.xlane v3, v2;
	s14 =	simm.s32 $0x19200  }
0x19d: {  	[tilespmem:s14], [sflag:$0x4] =	stream.indirect_vreg.gather [hbm4b:s5+s3], $0x80, v4, vm0, $0xb8;
	[tilespmem:$0x1C200] =	vst v63  }
0x19e: {  	v3 =	vadd.s32 v1, v3;
	s14 =	simm.s32 $0x19A00  }
0x19f: {  	[tilespmem:s14], [sflag:$0x4] =	stream.indirect_vreg.gather [hbm4b:s6+s3], $0x80, v4, vm0, $0xb8;
	[tilespmem:$0x1C200] =	vst v63  }
0x1a0: {  	s14 =	simm.s32 $0x1A200  }
0x1a1: {  	[tilespmem:s14], [sflag:$0x4] =	stream.indirect_vreg.gather [hbm4b:s7+s3], $0x80, v4, vm1, $0xb8;
	[tilespmem:$0x1C200] =	vst v63  }
0x1a2: {  	s14 =	simm.s32 $0x1A600  }
0x1a3: {  	[tilespmem:s14], [sflag:$0x4] =	stream.indirect_vreg.gather [hbm4b:s2+s3], $0x80, v3, vm0, $0xb8;
	[tilespmem:$0x1C200] =	vst v63  }
0x1a4: {  	s14 =	simm.s32 $0x1AE00  }
0x1a5: {  	[tilespmem:s14], [sflag:$0x4] =	stream.indirect_vreg.gather [hbm4b:s5+s3], $0x80, v3, vm0, $0xb8;
	[tilespmem:$0x1C200] =	vst v63  }
0x1a6: {  	s14 =	simm.s32 $0x1B600  }
0x1a7: {  	[tilespmem:s14], [sflag:$0x4] =	stream.indirect_vreg.gather [hbm4b:s6+s3], $0x80, v3, vm0, $0xb8;
	[tilespmem:$0x1C200] =	vst v63  }
0x1a8: {  	s14 =	simm.s32 $0x1BE00  }
0x1a9: {  	[tilespmem:s14], [sflag:$0x4] =	stream.indirect_vreg.gather [hbm4b:s7+s3], $0x80, v3, vm1, $0xb8;
	[tilespmem:$0x1C200] =	vst v63  }
0x1aa: {  	_ =	swait.ge [sflag:s30], $0x7000  }
0x1ab: {  	[sflag:s30] =	ssyncset.done $0x0  }
0x1ac: {  	s11 =	simm.s32 $0x200;
	s14 =	rddreg [dreg:$0x8];
	[sflag:s30] =	ssyncadd.s32 $0xFFFF9000  }
0x1ad: {  	[hbm4b:s14+s3] =	stream.linear.scatter [tilespmem:s11], [sflag:$0x5], $0x7000, $0x38;
	[tilespmem:$0x1C200] =	vst v63  }
0x1ae: {  	_ =	swait.ge [sflag:s31], $0x7000  }
0x1af: {  	[sflag:s31] =	ssyncset.done $0x0  }
0x1b0: {  	[sflag:s31] =	ssyncadd.s32 $0xFFFF9000  }
0x1b1: {  	v3 =	vld [tilespmem:$0x100];
	_ =	sdelay $0x4  }
0x1b2: {  	v48 =	vshrl.u32 v3, $0x3  }
0x1b3: {  	v4 =	vmul.u32 $0x38, v48  }
0x1b4: {  	v3 =	vand.u32 $0x7, v3  }
0x1b5: {  	v3 =	vor.u32 v3, v4  }
0x1b6: {  	v4 =	vperm.xlane v3, v0;
	_ =	sdelay $0x1  }
0x1b7: {  	v4 =	vadd.s32 v1, v4;
	_ =	sdelay $0x4  }
0x1b8: {  	[tilespmem:s11], [sflag:$0x1] =	stream.indirect_vreg.gather [hbm4b:s2+s3], $0x80, v4, vm0, $0xb8;
	[tilespmem:$0x1C200] =	vst v63  }
0x1b9: {  	s14 =	simm.s32 $0xA00;
	v3 =	vperm.xlane v3, v2  }
0x1ba: {  	[tilespmem:s14], [sflag:$0x1] =	stream.indirect_vreg.gather [hbm4b:s5+s3], $0x80, v4, vm0, $0xb8;
	[tilespmem:$0x1C200] =	vst v63  }
0x1bb: {  	v3 =	vadd.s32 v1, v3;
	s14 =	simm.s32 $0x1200  }
0x1bc: {  	[tilespmem:s14], [sflag:$0x1] =	stream.indirect_vreg.gather [hbm4b:s6+s3], $0x80, v4, vm0, $0xb8;
	[tilespmem:$0x1C200] =	vst v63  }
0x1bd: {  	s14 =	simm.s32 $0x1A00  }
0x1be: {  	[tilespmem:s14], [sflag:$0x1] =	stream.indirect_vreg.gather [hbm4b:s7+s3], $0x80, v4, vm1, $0xb8;
	[tilespmem:$0x1C200] =	vst v63  }
0x1bf: {  	s14 =	simm.s32 $0x1E00  }
0x1c0: {  	[tilespmem:s14], [sflag:$0x1] =	stream.indirect_vreg.gather [hbm4b:s2+s3], $0x80, v3, vm0, $0xb8;
	[tilespmem:$0x1C200] =	vst v63  }
0x1c1: {  	s14 =	simm.s32 $0x2600  }
0x1c2: {  	[tilespmem:s14], [sflag:$0x1] =	stream.indirect_vreg.gather [hbm4b:s5+s3], $0x80, v3, vm0, $0xb8;
	[tilespmem:$0x1C200] =	vst v63  }
0x1c3: {  	s14 =	simm.s32 $0x2E00  }
0x1c4: {  	[tilespmem:s14], [sflag:$0x1] =	stream.indirect_vreg.gather [hbm4b:s6+s3], $0x80, v3, vm0, $0xb8;
	[tilespmem:$0x1C200] =	vst v63  }
0x1c5: {  	s14 =	simm.s32 $0x3600  }
0x1c6: {  	[tilespmem:s14], [sflag:$0x1] =	stream.indirect_vreg.gather [hbm4b:s7+s3], $0x80, v3, vm1, $0xb8;
	[tilespmem:$0x1C200] =	vst v63  }
0x1c7: {  	v3 =	vld [tilespmem:$0x110];
	_ =	sdelay $0x4  }
0x1c8: {  	v49 =	vshrl.u32 v3, $0x3  }
0x1c9: {  	v4 =	vmul.u32 $0x38, v49  }
0x1ca: {  	v3 =	vand.u32 $0x7, v3  }
0x1cb: {  	v3 =	vor.u32 v3, v4  }
0x1cc: {  	v4 =	vperm.xlane v3, v0;
	_ =	sdelay $0x1  }
0x1cd: {  	v4 =	vadd.s32 v1, v4;
	_ =	sdelay $0x4  }
0x1ce: {  	[tilespmem:s29], [sflag:$0x1] =	stream.indirect_vreg.gather [hbm4b:s2+s3], $0x80, v4, vm0, $0xb8;
	[tilespmem:$0x1C200] =	vst v63  }
0x1cf: {  	s14 =	simm.s32 $0x4200;
	v3 =	vperm.xlane v3, v2  }
0x1d0: {  	[tilespmem:s14], [sflag:$0x1] =	stream.indirect_vreg.gather [hbm4b:s5+s3], $0x80, v4, vm0, $0xb8;
	[tilespmem:$0x1C200] =	vst v63  }
0x1d1: {  	v3 =	vadd.s32 v1, v3;
	s14 =	simm.s32 $0x4A00  }
0x1d2: {  	[tilespmem:s14], [sflag:$0x1] =	stream.indirect_vreg.gather [hbm4b:s6+s3], $0x80, v4, vm0, $0xb8;
	[tilespmem:$0x1C200] =	vst v63  }
0x1d3: {  	_ = 	snop  }
0x1d4: {  	[tilespmem:s17], [sflag:$0x1] =	stream.indirect_vreg.gather [hbm4b:s7+s3], $0x80, v4, vm1, $0xb8;
	[tilespmem:$0x1C200] =	vst v63  }
0x1d5: {  	_ = 	snop  }
0x1d6: {  	[tilespmem:s25], [sflag:$0x1] =	stream.indirect_vreg.gather [hbm4b:s2+s3], $0x80, v3, vm0, $0xb8;
	[tilespmem:$0x1C200] =	vst v63  }
0x1d7: {  	_ = 	snop  }
0x1d8: {  	[tilespmem:s26], [sflag:$0x1] =	stream.indirect_vreg.gather [hbm4b:s5+s3], $0x80, v3, vm0, $0xb8;
	[tilespmem:$0x1C200] =	vst v63  }
0x1d9: {  	s17 =	simm.s32 $0x6600  }
0x1da: {  	[tilespmem:s17], [sflag:$0x1] =	stream.indirect_vreg.gather [hbm4b:s6+s3], $0x80, v3, vm0, $0xb8;
	[tilespmem:$0x1C200] =	vst v63  }
0x1db: {  	_ = 	snop  }
0x1dc: {  	[tilespmem:s18], [sflag:$0x1] =	stream.indirect_vreg.gather [hbm4b:s7+s3], $0x80, v3, vm1, $0xb8;
	[tilespmem:$0x1C200] =	vst v63  }
0x1dd: {  	_ =	swait.ge [sflag:s1], $0x7000  }
0x1de: {  	[sflag:s1] =	ssyncset.done $0x0  }
0x1df: {  	s16 =	simm.s32 $0x7200;
	s11 =	rddreg [dreg:$0x9];
	[sflag:s1] =	ssyncadd.s32 $0xFFFF9000  }
0x1e0: {  	[hbm4b:s11+s3] =	stream.linear.scatter [tilespmem:s16], [sflag:$0x6], $0x7000, $0x38;
	[tilespmem:$0x1C200] =	vst v63  }
0x1e1: {  	_ =	swait.ge [sflag:s0], $0x7000  }
0x1e2: {  	[sflag:s0] =	ssyncset.done $0x0  }
0x1e3: {  	[sflag:s0] =	ssyncadd.s32 $0xFFFF9000  }
0x1e4: {  	v3 =	vld [tilespmem:$0x120];
	_ =	sdelay $0x4  }
0x1e5: {  	v50 =	vshrl.u32 v3, $0x3  }
0x1e6: {  	v4 =	vmul.u32 $0x38, v50  }
0x1e7: {  	v3 =	vand.u32 $0x7, v3  }
0x1e8: {  	v3 =	vor.u32 v3, v4  }
0x1e9: {  	v4 =	vperm.xlane v3, v0;
	_ =	sdelay $0x1  }
0x1ea: {  	v4 =	vadd.s32 v1, v4;
	_ =	sdelay $0x4  }
0x1eb: {  	[tilespmem:s16], [sflag:$0x2] =	stream.indirect_vreg.gather [hbm4b:s2+s3], $0x80, v4, vm0, $0xb8;
	[tilespmem:$0x1C200] =	vst v63  }
0x1ec: {  	s11 =	simm.s32 $0x7A00;
	v3 =	vperm.xlane v3, v2  }
0x1ed: {  	[tilespmem:s11], [sflag:$0x2] =	stream.indirect_vreg.gather [hbm4b:s5+s3], $0x80, v4, vm0, $0xb8;
	[tilespmem:$0x1C200] =	vst v63  }
0x1ee: {  	v3 =	vadd.s32 v1, v3  }
0x1ef: {  	[tilespmem:s24], [sflag:$0x2] =	stream.indirect_vreg.gather [hbm4b:s6+s3], $0x80, v4, vm0, $0xb8;
	[tilespmem:$0x1C200] =	vst v63  }
0x1f0: {  	_ = 	snop  }
0x1f1: {  	[tilespmem:s28], [sflag:$0x2] =	stream.indirect_vreg.gather [hbm4b:s7+s3], $0x80, v4, vm1, $0xb8;
	[tilespmem:$0x1C200] =	vst v63  }
0x1f2: {  	s17 =	simm.s32 $0x8E00  }
0x1f3: {  	[tilespmem:s17], [sflag:$0x2] =	stream.indirect_vreg.gather [hbm4b:s2+s3], $0x80, v3, vm0, $0xb8;
	[tilespmem:$0x1C200] =	vst v63  }
0x1f4: {  	s18 =	simm.s32 $0x9600  }
0x1f5: {  	[tilespmem:s18], [sflag:$0x2] =	stream.indirect_vreg.gather [hbm4b:s5+s3], $0x80, v3, vm0, $0xb8;
	[tilespmem:$0x1C200] =	vst v63  }
0x1f6: {  	s24 =	simm.s32 $0x9E00  }
0x1f7: {  	[tilespmem:s24], [sflag:$0x2] =	stream.indirect_vreg.gather [hbm4b:s6+s3], $0x80, v3, vm0, $0xb8;
	[tilespmem:$0x1C200] =	vst v63  }
0x1f8: {  	s28 =	simm.s32 $0xA600  }
0x1f9: {  	[tilespmem:s28], [sflag:$0x2] =	stream.indirect_vreg.gather [hbm4b:s7+s3], $0x80, v3, vm1, $0xb8;
	[tilespmem:$0x1C200] =	vst v63  }
0x1fa: {  	v3 =	vld [tilespmem:$0x130];
	_ =	sdelay $0x4  }
0x1fb: {  	v51 =	vshrl.u32 v3, $0x3  }
0x1fc: {  	v4 =	vmul.u32 $0x38, v51  }
0x1fd: {  	v3 =	vand.u32 $0x7, v3  }
0x1fe: {  	v3 =	vor.u32 v3, v4  }
0x1ff: {  	v4 =	vperm.xlane v3, v0;
	_ =	sdelay $0x1  }
0x200: {  	v4 =	vadd.s32 v1, v4;
	_ =	sdelay $0x3  }
0x201: {  	s24 =	simm.s32 $0xAA00  }
0x202: {  	[tilespmem:s24], [sflag:$0x2] =	stream.indirect_vreg.gather [hbm4b:s2+s3], $0x80, v4, vm0, $0xb8;
	[tilespmem:$0x1C200] =	vst v63  }
0x203: {  	s28 =	simm.s32 $0xB200;
	v3 =	vperm.xlane v3, v2  }
0x204: {  	[tilespmem:s28], [sflag:$0x2] =	stream.indirect_vreg.gather [hbm4b:s5+s3], $0x80, v4, vm0, $0xb8;
	[tilespmem:$0x1C200] =	vst v63  }
0x205: {  	v3 =	vadd.s32 v1, v3  }
0x206: {  	[tilespmem:s19], [sflag:$0x2] =	stream.indirect_vreg.gather [hbm4b:s6+s3], $0x80, v4, vm0, $0xb8;
	[tilespmem:$0x1C200] =	vst v63  }
0x207: {  	_ = 	snop  }
0x208: {  	[tilespmem:s20], [sflag:$0x2] =	stream.indirect_vreg.gather [hbm4b:s7+s3], $0x80, v4, vm1, $0xb8;
	[tilespmem:$0x1C200] =	vst v63  }
0x209: {  	_ = 	snop  }
0x20a: {  	[tilespmem:s21], [sflag:$0x2] =	stream.indirect_vreg.gather [hbm4b:s2+s3], $0x80, v3, vm0, $0xb8;
	[tilespmem:$0x1C200] =	vst v63  }
0x20b: {  	_ = 	snop  }
0x20c: {  	[tilespmem:s22], [sflag:$0x2] =	stream.indirect_vreg.gather [hbm4b:s5+s3], $0x80, v3, vm0, $0xb8;
	[tilespmem:$0x1C200] =	vst v63  }
0x20d: {  	_ = 	snop  }
0x20e: {  	[tilespmem:s23], [sflag:$0x2] =	stream.indirect_vreg.gather [hbm4b:s6+s3], $0x80, v3, vm0, $0xb8;
	[tilespmem:$0x1C200] =	vst v63  }
0x20f: {  	s24 =	simm.s32 $0xDE00  }
0x210: {  	[tilespmem:s24], [sflag:$0x2] =	stream.indirect_vreg.gather [hbm4b:s7+s3], $0x80, v3, vm1, $0xb8;
	[tilespmem:$0x1C200] =	vst v63  }
0x211: {  	_ =	swait.ge [sflag:s4], $0x7000  }
0x212: {  	[sflag:s4] =	ssyncset.done $0x0  }
0x213: {  	s15 =	simm.s32 $0xE200;
	s28 =	rddreg [dreg:$0xa];
	[sflag:s4] =	ssyncadd.s32 $0xFFFF9000  }
0x214: {  	[hbm4b:s28+s3] =	stream.linear.scatter [tilespmem:s15], [sflag:$0x7], $0x7000, $0x38;
	[tilespmem:$0x1C200] =	vst v63  }
0x215: {  	_ =	swait.ge [sflag:s9], $0x7000  }
0x216: {  	[sflag:s9] =	ssyncset.done $0x0  }
0x217: {  	[sflag:s9] =	ssyncadd.s32 $0xFFFF9000  }
0x218: {  	v3 =	vld [tilespmem:$0x140];
	_ =	sdelay $0x4  }
0x219: {  	v52 =	vshrl.u32 v3, $0x3  }
0x21a: {  	v4 =	vmul.u32 $0x38, v52  }
0x21b: {  	v3 =	vand.u32 $0x7, v3  }
0x21c: {  	v3 =	vor.u32 v3, v4  }
0x21d: {  	v4 =	vperm.xlane v3, v0;
	_ =	sdelay $0x1  }
0x21e: {  	v4 =	vadd.s32 v1, v4;
	_ =	sdelay $0x4  }
0x21f: {  	[tilespmem:s15], [sflag:$0x3] =	stream.indirect_vreg.gather [hbm4b:s2+s3], $0x80, v4, vm0, $0xb8;
	[tilespmem:$0x1C200] =	vst v63  }
0x220: {  	v3 =	vperm.xlane v3, v2;
	s15 =	simm.s32 $0xEA00  }
0x221: {  	[tilespmem:s15], [sflag:$0x3] =	stream.indirect_vreg.gather [hbm4b:s5+s3], $0x80, v4, vm0, $0xb8;
	[tilespmem:$0x1C200] =	vst v63  }
0x222: {  	s24 =	simm.s32 $0xF200;
	v3 =	vadd.s32 v1, v3  }
0x223: {  	[tilespmem:s24], [sflag:$0x3] =	stream.indirect_vreg.gather [hbm4b:s6+s3], $0x80, v4, vm0, $0xb8;
	[tilespmem:$0x1C200] =	vst v63  }
0x224: {  	s28 =	simm.s32 $0xFA00  }
0x225: {  	[tilespmem:s28], [sflag:$0x3] =	stream.indirect_vreg.gather [hbm4b:s7+s3], $0x80, v4, vm1, $0xb8;
	[tilespmem:$0x1C200] =	vst v63  }
0x226: {  	s15 =	simm.s32 $0xFE00  }
0x227: {  	[tilespmem:s15], [sflag:$0x3] =	stream.indirect_vreg.gather [hbm4b:s2+s3], $0x80, v3, vm0, $0xb8;
	[tilespmem:$0x1C200] =	vst v63  }
0x228: {  	s24 =	simm.s32 $0x10600  }
0x229: {  	[tilespmem:s24], [sflag:$0x3] =	stream.indirect_vreg.gather [hbm4b:s5+s3], $0x80, v3, vm0, $0xb8;
	[tilespmem:$0x1C200] =	vst v63  }
0x22a: {  	s28 =	simm.s32 $0x10E00  }
0x22b: {  	[tilespmem:s28], [sflag:$0x3] =	stream.indirect_vreg.gather [hbm4b:s6+s3], $0x80, v3, vm0, $0xb8;
	[tilespmem:$0x1C200] =	vst v63  }
0x22c: {  	s15 =	simm.s32 $0x11600  }
0x22d: {  	[tilespmem:s15], [sflag:$0x3] =	stream.indirect_vreg.gather [hbm4b:s7+s3], $0x80, v3, vm1, $0xb8;
	[tilespmem:$0x1C200] =	vst v63  }
0x22e: {  	v3 =	vld [tilespmem:$0x150];
	_ =	sdelay $0x4  }
0x22f: {  	v53 =	vshrl.u32 v3, $0x3  }
0x230: {  	v4 =	vmul.u32 $0x38, v53  }
0x231: {  	v3 =	vand.u32 $0x7, v3  }
0x232: {  	v3 =	vor.u32 v3, v4  }
0x233: {  	v4 =	vperm.xlane v3, v0;
	_ =	sdelay $0x1  }
0x234: {  	v4 =	vadd.s32 v1, v4;
	_ =	sdelay $0x3  }
0x235: {  	s24 =	simm.s32 $0x11A00  }
0x236: {  	[tilespmem:s24], [sflag:$0x3] =	stream.indirect_vreg.gather [hbm4b:s2+s3], $0x80, v4, vm0, $0xb8;
	[tilespmem:$0x1C200] =	vst v63  }
0x237: {  	s28 =	simm.s32 $0x12200;
	v3 =	vperm.xlane v3, v2  }
0x238: {  	[tilespmem:s28], [sflag:$0x3] =	stream.indirect_vreg.gather [hbm4b:s5+s3], $0x80, v4, vm0, $0xb8;
	[tilespmem:$0x1C200] =	vst v63  }
0x239: {  	s15 =	simm.s32 $0x12A00;
	v3 =	vadd.s32 v1, v3  }
0x23a: {  	[tilespmem:s15], [sflag:$0x3] =	stream.indirect_vreg.gather [hbm4b:s6+s3], $0x80, v4, vm0, $0xb8;
	[tilespmem:$0x1C200] =	vst v63  }
0x23b: {  	s24 =	simm.s32 $0x13200  }
0x23c: {  	[tilespmem:s24], [sflag:$0x3] =	stream.indirect_vreg.gather [hbm4b:s7+s3], $0x80, v4, vm1, $0xb8;
	[tilespmem:$0x1C200] =	vst v63  }
0x23d: {  	s28 =	simm.s32 $0x13600  }
0x23e: {  	[tilespmem:s28], [sflag:$0x3] =	stream.indirect_vreg.gather [hbm4b:s2+s3], $0x80, v3, vm0, $0xb8;
	[tilespmem:$0x1C200] =	vst v63  }
0x23f: {  	s15 =	simm.s32 $0x13E00  }
0x240: {  	[tilespmem:s15], [sflag:$0x3] =	stream.indirect_vreg.gather [hbm4b:s5+s3], $0x80, v3, vm0, $0xb8;
	[tilespmem:$0x1C200] =	vst v63  }
0x241: {  	s24 =	simm.s32 $0x14600  }
0x242: {  	[tilespmem:s24], [sflag:$0x3] =	stream.indirect_vreg.gather [hbm4b:s6+s3], $0x80, v3, vm0, $0xb8;
	[tilespmem:$0x1C200] =	vst v63  }
0x243: {  	s28 =	simm.s32 $0x14E00  }
0x244: {  	[tilespmem:s28], [sflag:$0x3] =	stream.indirect_vreg.gather [hbm4b:s7+s3], $0x80, v3, vm1, $0xb8;
	[tilespmem:$0x1C200] =	vst v63  }
0x245: {  	_ =	swait.ge [sflag:s12], $0x7000  }
0x246: {  	[sflag:s12] =	ssyncset.done $0x0  }
0x247: {  	s15 =	rddreg [dreg:$0xb];
	[sflag:s12] =	ssyncadd.s32 $0xFFFF9000  }
0x248: {  	[hbm4b:s15+s3] =	stream.linear.scatter [tilespmem:s10], [sflag:$0x8], $0x7000, $0x38;
	[tilespmem:$0x1C200] =	vst v63  }
0x249: {  	_ =	swait.ge [sflag:s13], $0x7000  }
0x24a: {  	[sflag:s13] =	ssyncset.done $0x0  }
0x24b: {  	[sflag:s13] =	ssyncadd.s32 $0xFFFF9000  }
0x24c: {  	v3 =	vld [tilespmem:$0x160];
	_ =	sdelay $0x4  }
0x24d: {  	v54 =	vshrl.u32 v3, $0x3  }
0x24e: {  	v4 =	vmul.u32 $0x38, v54  }
0x24f: {  	v3 =	vand.u32 $0x7, v3  }
0x250: {  	v3 =	vor.u32 v3, v4  }
0x251: {  	v4 =	vperm.xlane v3, v0;
	_ =	sdelay $0x1  }
0x252: {  	v4 =	vadd.s32 v1, v4;
	_ =	sdelay $0x4  }
0x253: {  	[tilespmem:s10], [sflag:$0x4] =	stream.indirect_vreg.gather [hbm4b:s2+s3], $0x80, v4, vm0, $0xb8;
	[tilespmem:$0x1C200] =	vst v63  }
0x254: {  	s24 =	simm.s32 $0x15A00;
	v3 =	vperm.xlane v3, v2  }
0x255: {  	[tilespmem:s24], [sflag:$0x4] =	stream.indirect_vreg.gather [hbm4b:s5+s3], $0x80, v4, vm0, $0xb8;
	[tilespmem:$0x1C200] =	vst v63  }
0x256: {  	s28 =	simm.s32 $0x16200;
	v3 =	vadd.s32 v1, v3  }
0x257: {  	[tilespmem:s28], [sflag:$0x4] =	stream.indirect_vreg.gather [hbm4b:s6+s3], $0x80, v4, vm0, $0xb8;
	[tilespmem:$0x1C200] =	vst v63  }
0x258: {  	s15 =	simm.s32 $0x16A00  }
0x259: {  	[tilespmem:s15], [sflag:$0x4] =	stream.indirect_vreg.gather [hbm4b:s7+s3], $0x80, v4, vm1, $0xb8;
	[tilespmem:$0x1C200] =	vst v63  }
0x25a: {  	s24 =	simm.s32 $0x16E00  }
0x25b: {  	[tilespmem:s24], [sflag:$0x4] =	stream.indirect_vreg.gather [hbm4b:s2+s3], $0x80, v3, vm0, $0xb8;
	[tilespmem:$0x1C200] =	vst v63  }
0x25c: {  	s24 =	simm.s32 $0x17600  }
0x25d: {  	[tilespmem:s24], [sflag:$0x4] =	stream.indirect_vreg.gather [hbm4b:s5+s3], $0x80, v3, vm0, $0xb8;
	[tilespmem:$0x1C200] =	vst v63  }
0x25e: {  	s24 =	simm.s32 $0x17E00  }
0x25f: {  	[tilespmem:s24], [sflag:$0x4] =	stream.indirect_vreg.gather [hbm4b:s6+s3], $0x80, v3, vm0, $0xb8;
	[tilespmem:$0x1C200] =	vst v63  }
0x260: {  	s24 =	simm.s32 $0x18600  }
0x261: {  	[tilespmem:s24], [sflag:$0x4] =	stream.indirect_vreg.gather [hbm4b:s7+s3], $0x80, v3, vm1, $0xb8;
	[tilespmem:$0x1C200] =	vst v63  }
0x262: {  	v3 =	vld [tilespmem:$0x170];
	_ =	sdelay $0x4  }
0x263: {  	v55 =	vshrl.u32 v3, $0x3  }
0x264: {  	v4 =	vmul.u32 $0x38, v55  }
0x265: {  	v3 =	vand.u32 $0x7, v3  }
0x266: {  	v3 =	vor.u32 v3, v4  }
0x267: {  	v4 =	vperm.xlane v3, v0;
	_ =	sdelay $0x1  }
0x268: {  	v4 =	vadd.s32 v1, v4;
	_ =	sdelay $0x3  }
0x269: {  	s24 =	simm.s32 $0x18A00  }
0x26a: {  	[tilespmem:s24], [sflag:$0x4] =	stream.indirect_vreg.gather [hbm4b:s2+s3], $0x80, v4, vm0, $0xb8;
	[tilespmem:$0x1C200] =	vst v63  }
0x26b: {  	v3 =	vperm.xlane v3, v2;
	s24 =	simm.s32 $0x19200  }
0x26c: {  	[tilespmem:s24], [sflag:$0x4] =	stream.indirect_vreg.gather [hbm4b:s5+s3], $0x80, v4, vm0, $0xb8;
	[tilespmem:$0x1C200] =	vst v63  }
0x26d: {  	v3 =	vadd.s32 v1, v3;
	s24 =	simm.s32 $0x19A00  }
0x26e: {  	[tilespmem:s24], [sflag:$0x4] =	stream.indirect_vreg.gather [hbm4b:s6+s3], $0x80, v4, vm0, $0xb8;
	[tilespmem:$0x1C200] =	vst v63  }
0x26f: {  	s24 =	simm.s32 $0x1A200  }
0x270: {  	[tilespmem:s24], [sflag:$0x4] =	stream.indirect_vreg.gather [hbm4b:s7+s3], $0x80, v4, vm1, $0xb8;
	[tilespmem:$0x1C200] =	vst v63  }
0x271: {  	s24 =	simm.s32 $0x1A600  }
0x272: {  	[tilespmem:s24], [sflag:$0x4] =	stream.indirect_vreg.gather [hbm4b:s2+s3], $0x80, v3, vm0, $0xb8;
	[tilespmem:$0x1C200] =	vst v63  }
0x273: {  	s24 =	simm.s32 $0x1AE00  }
0x274: {  	[tilespmem:s24], [sflag:$0x4] =	stream.indirect_vreg.gather [hbm4b:s5+s3], $0x80, v3, vm0, $0xb8;
	[tilespmem:$0x1C200] =	vst v63  }
0x275: {  	s24 =	simm.s32 $0x1B600  }
0x276: {  	[tilespmem:s24], [sflag:$0x4] =	stream.indirect_vreg.gather [hbm4b:s6+s3], $0x80, v3, vm0, $0xb8;
	[tilespmem:$0x1C200] =	vst v63  }
0x277: {  	s24 =	simm.s32 $0x1BE00  }
0x278: {  	[tilespmem:s24], [sflag:$0x4] =	stream.indirect_vreg.gather [hbm4b:s7+s3], $0x80, v3, vm1, $0xb8;
	[tilespmem:$0x1C200] =	vst v63  }
0x279: {  	_ =	swait.ge [sflag:s30], $0x7000  }
0x27a: {  	[sflag:s30] =	ssyncset.done $0x0  }
0x27b: {  	s24 =	simm.s32 $0x200;
	s14 =	rddreg [dreg:$0xc];
	[sflag:s30] =	ssyncadd.s32 $0xFFFF9000  }
0x27c: {  	[hbm4b:s14+s3] =	stream.linear.scatter [tilespmem:s24], [sflag:$0x5], $0x7000, $0x38;
	[tilespmem:$0x1C200] =	vst v63  }
0x27d: {  	_ =	swait.ge [sflag:s31], $0x7000  }
0x27e: {  	[sflag:s31] =	ssyncset.done $0x0  }
0x27f: {  	[sflag:s31] =	ssyncadd.s32 $0xFFFF9000  }
0x280: {  	v3 =	vld [tilespmem:$0x180];
	_ =	sdelay $0x4  }
0x281: {  	v56 =	vshrl.u32 v3, $0x3  }
0x282: {  	v4 =	vmul.u32 $0x38, v56  }
0x283: {  	v3 =	vand.u32 $0x7, v3  }
0x284: {  	v3 =	vor.u32 v3, v4  }
0x285: {  	v4 =	vperm.xlane v3, v0;
	_ =	sdelay $0x1  }
0x286: {  	v4 =	vadd.s32 v1, v4;
	_ =	sdelay $0x4  }
0x287: {  	[tilespmem:s24], [sflag:$0x1] =	stream.indirect_vreg.gather [hbm4b:s2+s3], $0x80, v4, vm0, $0xb8;
	[tilespmem:$0x1C200] =	vst v63  }
0x288: {  	s14 =	simm.s32 $0xA00;
	v3 =	vperm.xlane v3, v2  }
0x289: {  	[tilespmem:s14], [sflag:$0x1] =	stream.indirect_vreg.gather [hbm4b:s5+s3], $0x80, v4, vm0, $0xb8;
	[tilespmem:$0x1C200] =	vst v63  }
0x28a: {  	v3 =	vadd.s32 v1, v3;
	s14 =	simm.s32 $0x1200  }
0x28b: {  	[tilespmem:s14], [sflag:$0x1] =	stream.indirect_vreg.gather [hbm4b:s6+s3], $0x80, v4, vm0, $0xb8;
	[tilespmem:$0x1C200] =	vst v63  }
0x28c: {  	s14 =	simm.s32 $0x1A00  }
0x28d: {  	[tilespmem:s14], [sflag:$0x1] =	stream.indirect_vreg.gather [hbm4b:s7+s3], $0x80, v4, vm1, $0xb8;
	[tilespmem:$0x1C200] =	vst v63  }
0x28e: {  	s14 =	simm.s32 $0x1E00  }
0x28f: {  	[tilespmem:s14], [sflag:$0x1] =	stream.indirect_vreg.gather [hbm4b:s2+s3], $0x80, v3, vm0, $0xb8;
	[tilespmem:$0x1C200] =	vst v63  }
0x290: {  	s14 =	simm.s32 $0x2600  }
0x291: {  	[tilespmem:s14], [sflag:$0x1] =	stream.indirect_vreg.gather [hbm4b:s5+s3], $0x80, v3, vm0, $0xb8;
	[tilespmem:$0x1C200] =	vst v63  }
0x292: {  	s14 =	simm.s32 $0x2E00  }
0x293: {  	[tilespmem:s14], [sflag:$0x1] =	stream.indirect_vreg.gather [hbm4b:s6+s3], $0x80, v3, vm0, $0xb8;
	[tilespmem:$0x1C200] =	vst v63  }
0x294: {  	s14 =	simm.s32 $0x3600  }
0x295: {  	[tilespmem:s14], [sflag:$0x1] =	stream.indirect_vreg.gather [hbm4b:s7+s3], $0x80, v3, vm1, $0xb8;
	[tilespmem:$0x1C200] =	vst v63  }
0x296: {  	v3 =	vld [tilespmem:$0x190];
	_ =	sdelay $0x4  }
0x297: {  	v57 =	vshrl.u32 v3, $0x3  }
0x298: {  	v4 =	vmul.u32 $0x38, v57  }
0x299: {  	v3 =	vand.u32 $0x7, v3  }
0x29a: {  	v3 =	vor.u32 v3, v4  }
0x29b: {  	v4 =	vperm.xlane v3, v0;
	_ =	sdelay $0x1  }
0x29c: {  	v4 =	vadd.s32 v1, v4;
	_ =	sdelay $0x3  }
0x29d: {  	s29 =	simm.s32 $0x3A00  }
0x29e: {  	[tilespmem:s29], [sflag:$0x1] =	stream.indirect_vreg.gather [hbm4b:s2+s3], $0x80, v4, vm0, $0xb8;
	[tilespmem:$0x1C200] =	vst v63  }
0x29f: {  	v3 =	vperm.xlane v3, v2;
	s29 =	simm.s32 $0x4200  }
0x2a0: {  	[tilespmem:s29], [sflag:$0x1] =	stream.indirect_vreg.gather [hbm4b:s5+s3], $0x80, v4, vm0, $0xb8;
	[tilespmem:$0x1C200] =	vst v63  }
0x2a1: {  	v3 =	vadd.s32 v1, v3;
	s29 =	simm.s32 $0x4A00  }
0x2a2: {  	[tilespmem:s29], [sflag:$0x1] =	stream.indirect_vreg.gather [hbm4b:s6+s3], $0x80, v4, vm0, $0xb8;
	[tilespmem:$0x1C200] =	vst v63  }
0x2a3: {  	s29 =	simm.s32 $0x5200  }
0x2a4: {  	[tilespmem:s29], [sflag:$0x1] =	stream.indirect_vreg.gather [hbm4b:s7+s3], $0x80, v4, vm1, $0xb8;
	[tilespmem:$0x1C200] =	vst v63  }
0x2a5: {  	s25 =	simm.s32 $0x5600  }
0x2a6: {  	[tilespmem:s25], [sflag:$0x1] =	stream.indirect_vreg.gather [hbm4b:s2+s3], $0x80, v3, vm0, $0xb8;
	[tilespmem:$0x1C200] =	vst v63  }
0x2a7: {  	s26 =	simm.s32 $0x5E00  }
0x2a8: {  	[tilespmem:s26], [sflag:$0x1] =	stream.indirect_vreg.gather [hbm4b:s5+s3], $0x80, v3, vm0, $0xb8;
	[tilespmem:$0x1C200] =	vst v63  }
0x2a9: {  	s26 =	simm.s32 $0x6600  }
0x2aa: {  	[tilespmem:s26], [sflag:$0x1] =	stream.indirect_vreg.gather [hbm4b:s6+s3], $0x80, v3, vm0, $0xb8;
	[tilespmem:$0x1C200] =	vst v63  }
0x2ab: {  	s29 =	simm.s32 $0x6E00  }
0x2ac: {  	[tilespmem:s29], [sflag:$0x1] =	stream.indirect_vreg.gather [hbm4b:s7+s3], $0x80, v3, vm1, $0xb8;
	[tilespmem:$0x1C200] =	vst v63  }
0x2ad: {  	_ =	swait.ge [sflag:s1], $0x7000  }
0x2ae: {  	[sflag:s1] =	ssyncset.done $0x0  }
0x2af: {  	s26 =	simm.s32 $0x7200;
	s25 =	rddreg [dreg:$0xd];
	[sflag:s1] =	ssyncadd.s32 $0xFFFF9000  }
0x2b0: {  	[hbm4b:s25+s3] =	stream.linear.scatter [tilespmem:s26], [sflag:$0x6], $0x7000, $0x38;
	[tilespmem:$0x1C200] =	vst v63  }
0x2b1: {  	_ =	swait.ge [sflag:s0], $0x7000  }
0x2b2: {  	[sflag:s0] =	ssyncset.done $0x0  }
0x2b3: {  	[sflag:s0] =	ssyncadd.s32 $0xFFFF9000  }
0x2b4: {  	v3 =	vld [tilespmem:$0x1A0];
	_ =	sdelay $0x4  }
0x2b5: {  	v58 =	vshrl.u32 v3, $0x3  }
0x2b6: {  	v4 =	vmul.u32 $0x38, v58  }
0x2b7: {  	v3 =	vand.u32 $0x7, v3  }
0x2b8: {  	v3 =	vor.u32 v3, v4  }
0x2b9: {  	v4 =	vperm.xlane v3, v0;
	_ =	sdelay $0x1  }
0x2ba: {  	v4 =	vadd.s32 v1, v4;
	_ =	sdelay $0x4  }
0x2bb: {  	[tilespmem:s26], [sflag:$0x2] =	stream.indirect_vreg.gather [hbm4b:s2+s3], $0x80, v4, vm0, $0xb8;
	[tilespmem:$0x1C200] =	vst v63  }
0x2bc: {  	v3 =	vperm.xlane v3, v2  }
0x2bd: {  	[tilespmem:s11], [sflag:$0x2] =	stream.indirect_vreg.gather [hbm4b:s5+s3], $0x80, v4, vm0, $0xb8;
	[tilespmem:$0x1C200] =	vst v63  }
0x2be: {  	s29 =	simm.s32 $0x8200;
	v3 =	vadd.s32 v1, v3  }
0x2bf: {  	[tilespmem:s29], [sflag:$0x2] =	stream.indirect_vreg.gather [hbm4b:s6+s3], $0x80, v4, vm0, $0xb8;
	[tilespmem:$0x1C200] =	vst v63  }
0x2c0: {  	s14 =	simm.s32 $0x8A00  }
0x2c1: {  	[tilespmem:s14], [sflag:$0x2] =	stream.indirect_vreg.gather [hbm4b:s7+s3], $0x80, v4, vm1, $0xb8;
	[tilespmem:$0x1C200] =	vst v63  }
0x2c2: {  	s16 =	simm.s32 $0x8E00  }
0x2c3: {  	[tilespmem:s16], [sflag:$0x2] =	stream.indirect_vreg.gather [hbm4b:s2+s3], $0x80, v3, vm0, $0xb8;
	[tilespmem:$0x1C200] =	vst v63  }
0x2c4: {  	s17 =	simm.s32 $0x9600  }
0x2c5: {  	[tilespmem:s17], [sflag:$0x2] =	stream.indirect_vreg.gather [hbm4b:s5+s3], $0x80, v3, vm0, $0xb8;
	[tilespmem:$0x1C200] =	vst v63  }
0x2c6: {  	s18 =	simm.s32 $0x9E00  }
0x2c7: {  	[tilespmem:s18], [sflag:$0x2] =	stream.indirect_vreg.gather [hbm4b:s6+s3], $0x80, v3, vm0, $0xb8;
	[tilespmem:$0x1C200] =	vst v63  }
0x2c8: {  	s16 =	simm.s32 $0xA600  }
0x2c9: {  	[tilespmem:s16], [sflag:$0x2] =	stream.indirect_vreg.gather [hbm4b:s7+s3], $0x80, v3, vm1, $0xb8;
	[tilespmem:$0x1C200] =	vst v63  }
0x2ca: {  	v3 =	vld [tilespmem:$0x1B0];
	_ =	sdelay $0x4  }
0x2cb: {  	v59 =	vshrl.u32 v3, $0x3  }
0x2cc: {  	v4 =	vmul.u32 $0x38, v59  }
0x2cd: {  	v3 =	vand.u32 $0x7, v3  }
0x2ce: {  	v3 =	vor.u32 v3, v4  }
0x2cf: {  	v4 =	vperm.xlane v3, v0;
	_ =	sdelay $0x1  }
0x2d0: {  	v4 =	vadd.s32 v1, v4;
	_ =	sdelay $0x3  }
0x2d1: {  	s17 =	simm.s32 $0xAA00  }
0x2d2: {  	[tilespmem:s17], [sflag:$0x2] =	stream.indirect_vreg.gather [hbm4b:s2+s3], $0x80, v4, vm0, $0xb8;
	[tilespmem:$0x1C200] =	vst v63  }
0x2d3: {  	s18 =	simm.s32 $0xB200;
	v3 =	vperm.xlane v3, v2  }
0x2d4: {  	[tilespmem:s18], [sflag:$0x2] =	stream.indirect_vreg.gather [hbm4b:s5+s3], $0x80, v4, vm0, $0xb8;
	[tilespmem:$0x1C200] =	vst v63  }
0x2d5: {  	s19 =	simm.s32 $0xBA00;
	v3 =	vadd.s32 v1, v3  }
0x2d6: {  	[tilespmem:s19], [sflag:$0x2] =	stream.indirect_vreg.gather [hbm4b:s6+s3], $0x80, v4, vm0, $0xb8;
	[tilespmem:$0x1C200] =	vst v63  }
0x2d7: {  	s20 =	simm.s32 $0xC200  }
0x2d8: {  	[tilespmem:s20], [sflag:$0x2] =	stream.indirect_vreg.gather [hbm4b:s7+s3], $0x80, v4, vm1, $0xb8;
	[tilespmem:$0x1C200] =	vst v63  }
0x2d9: {  	s21 =	simm.s32 $0xC600  }
0x2da: {  	[tilespmem:s21], [sflag:$0x2] =	stream.indirect_vreg.gather [hbm4b:s2+s3], $0x80, v3, vm0, $0xb8;
	[tilespmem:$0x1C200] =	vst v63  }
0x2db: {  	s22 =	simm.s32 $0xCE00  }
0x2dc: {  	[tilespmem:s22], [sflag:$0x2] =	stream.indirect_vreg.gather [hbm4b:s5+s3], $0x80, v3, vm0, $0xb8;
	[tilespmem:$0x1C200] =	vst v63  }
0x2dd: {  	s23 =	simm.s32 $0xD600  }
0x2de: {  	[tilespmem:s23], [sflag:$0x2] =	stream.indirect_vreg.gather [hbm4b:s6+s3], $0x80, v3, vm0, $0xb8;
	[tilespmem:$0x1C200] =	vst v63  }
0x2df: {  	s23 =	simm.s32 $0xDE00  }
0x2e0: {  	[tilespmem:s23], [sflag:$0x2] =	stream.indirect_vreg.gather [hbm4b:s7+s3], $0x80, v3, vm1, $0xb8;
	[tilespmem:$0x1C200] =	vst v63  }
0x2e1: {  	_ =	swait.ge [sflag:s4], $0x7000  }
0x2e2: {  	[sflag:s4] =	ssyncset.done $0x0  }
0x2e3: {  	s29 =	simm.s32 $0xE200;
	s26 =	rddreg [dreg:$0xe];
	[sflag:s4] =	ssyncadd.s32 $0xFFFF9000  }
0x2e4: {  	[hbm4b:s26+s3] =	stream.linear.scatter [tilespmem:s29], [sflag:$0x7], $0x7000, $0x38;
	[tilespmem:$0x1C200] =	vst v63  }
0x2e5: {  	_ =	swait.ge [sflag:s9], $0x7000  }
0x2e6: {  	[sflag:s9] =	ssyncset.done $0x0  }
0x2e7: {  	[sflag:s9] =	ssyncadd.s32 $0xFFFF9000  }
0x2e8: {  	v3 =	vld [tilespmem:$0x1C0];
	_ =	sdelay $0x4  }
0x2e9: {  	v60 =	vshrl.u32 v3, $0x3  }
0x2ea: {  	v4 =	vmul.u32 $0x38, v60  }
0x2eb: {  	v3 =	vand.u32 $0x7, v3  }
0x2ec: {  	v3 =	vor.u32 v3, v4  }
0x2ed: {  	v4 =	vperm.xlane v3, v0;
	_ =	sdelay $0x1  }
0x2ee: {  	v4 =	vadd.s32 v1, v4;
	_ =	sdelay $0x4  }
0x2ef: {  	[tilespmem:s29], [sflag:$0x3] =	stream.indirect_vreg.gather [hbm4b:s2+s3], $0x80, v4, vm0, $0xb8;
	[tilespmem:$0x1C200] =	vst v63  }
0x2f0: {  	s16 =	simm.s32 $0xEA00;
	v3 =	vperm.xlane v3, v2  }
0x2f1: {  	[tilespmem:s16], [sflag:$0x3] =	stream.indirect_vreg.gather [hbm4b:s5+s3], $0x80, v4, vm0, $0xb8;
	[tilespmem:$0x1C200] =	vst v63  }
0x2f2: {  	s17 =	simm.s32 $0xF200;
	v3 =	vadd.s32 v1, v3  }
0x2f3: {  	[tilespmem:s17], [sflag:$0x3] =	stream.indirect_vreg.gather [hbm4b:s6+s3], $0x80, v4, vm0, $0xb8;
	[tilespmem:$0x1C200] =	vst v63  }
0x2f4: {  	s18 =	simm.s32 $0xFA00  }
0x2f5: {  	[tilespmem:s18], [sflag:$0x3] =	stream.indirect_vreg.gather [hbm4b:s7+s3], $0x80, v4, vm1, $0xb8;
	[tilespmem:$0x1C200] =	vst v63  }
0x2f6: {  	s19 =	simm.s32 $0xFE00  }
0x2f7: {  	[tilespmem:s19], [sflag:$0x3] =	stream.indirect_vreg.gather [hbm4b:s2+s3], $0x80, v3, vm0, $0xb8;
	[tilespmem:$0x1C200] =	vst v63  }
0x2f8: {  	s20 =	simm.s32 $0x10600  }
0x2f9: {  	[tilespmem:s20], [sflag:$0x3] =	stream.indirect_vreg.gather [hbm4b:s5+s3], $0x80, v3, vm0, $0xb8;
	[tilespmem:$0x1C200] =	vst v63  }
0x2fa: {  	s21 =	simm.s32 $0x10E00  }
0x2fb: {  	[tilespmem:s21], [sflag:$0x3] =	stream.indirect_vreg.gather [hbm4b:s6+s3], $0x80, v3, vm0, $0xb8;
	[tilespmem:$0x1C200] =	vst v63  }
0x2fc: {  	s22 =	simm.s32 $0x11600  }
0x2fd: {  	[tilespmem:s22], [sflag:$0x3] =	stream.indirect_vreg.gather [hbm4b:s7+s3], $0x80, v3, vm1, $0xb8;
	[tilespmem:$0x1C200] =	vst v63  }
0x2fe: {  	v3 =	vld [tilespmem:$0x1D0];
	_ =	sdelay $0x4  }
0x2ff: {  	v61 =	vshrl.u32 v3, $0x3  }
0x300: {  	v4 =	vmul.u32 $0x38, v61  }
0x301: {  	v3 =	vand.u32 $0x7, v3  }
0x302: {  	v3 =	vor.u32 v3, v4  }
0x303: {  	v4 =	vperm.xlane v3, v0;
	_ =	sdelay $0x1  }
0x304: {  	v4 =	vadd.s32 v1, v4;
	_ =	sdelay $0x3  }
0x305: {  	s23 =	simm.s32 $0x11A00  }
0x306: {  	[tilespmem:s23], [sflag:$0x3] =	stream.indirect_vreg.gather [hbm4b:s2+s3], $0x80, v4, vm0, $0xb8;
	[tilespmem:$0x1C200] =	vst v63  }
0x307: {  	s26 =	simm.s32 $0x12200;
	v3 =	vperm.xlane v3, v2  }
0x308: {  	[tilespmem:s26], [sflag:$0x3] =	stream.indirect_vreg.gather [hbm4b:s5+s3], $0x80, v4, vm0, $0xb8;
	[tilespmem:$0x1C200] =	vst v63  }
0x309: {  	s29 =	simm.s32 $0x12A00;
	v3 =	vadd.s32 v1, v3  }
0x30a: {  	[tilespmem:s29], [sflag:$0x3] =	stream.indirect_vreg.gather [hbm4b:s6+s3], $0x80, v4, vm0, $0xb8;
	[tilespmem:$0x1C200] =	vst v63  }
0x30b: {  	s16 =	simm.s32 $0x13200  }
0x30c: {  	[tilespmem:s16], [sflag:$0x3] =	stream.indirect_vreg.gather [hbm4b:s7+s3], $0x80, v4, vm1, $0xb8;
	[tilespmem:$0x1C200] =	vst v63  }
0x30d: {  	s17 =	simm.s32 $0x13600  }
0x30e: {  	[tilespmem:s17], [sflag:$0x3] =	stream.indirect_vreg.gather [hbm4b:s2+s3], $0x80, v3, vm0, $0xb8;
	[tilespmem:$0x1C200] =	vst v63  }
0x30f: {  	s18 =	simm.s32 $0x13E00  }
0x310: {  	[tilespmem:s18], [sflag:$0x3] =	stream.indirect_vreg.gather [hbm4b:s5+s3], $0x80, v3, vm0, $0xb8;
	[tilespmem:$0x1C200] =	vst v63  }
0x311: {  	s19 =	simm.s32 $0x14600  }
0x312: {  	[tilespmem:s19], [sflag:$0x3] =	stream.indirect_vreg.gather [hbm4b:s6+s3], $0x80, v3, vm0, $0xb8;
	[tilespmem:$0x1C200] =	vst v63  }
0x313: {  	s20 =	simm.s32 $0x14E00  }
0x314: {  	[tilespmem:s20], [sflag:$0x3] =	stream.indirect_vreg.gather [hbm4b:s7+s3], $0x80, v3, vm1, $0xb8;
	[tilespmem:$0x1C200] =	vst v63  }
0x315: {  	_ =	swait.ge [sflag:s12], $0x7000  }
0x316: {  	[sflag:s12] =	ssyncset.done $0x0  }
0x317: {  	s21 =	rddreg [dreg:$0xf];
	[sflag:s12] =	ssyncadd.s32 $0xFFFF9000  }
0x318: {  	[hbm4b:s21+s3] =	stream.linear.scatter [tilespmem:s10], [sflag:$0x8], $0x7000, $0x38;
	[tilespmem:$0x1C200] =	vst v63  }
0x319: {  	_ =	swait.ge [sflag:s13], $0x7000  }
0x31a: {  	[sflag:s13] =	ssyncset.done $0x0  }
0x31b: {  	[sflag:s13] =	ssyncadd.s32 $0xFFFF9000  }
0x31c: {  	v3 =	vld [tilespmem:$0x1E0];
	_ =	sdelay $0x4  }
0x31d: {  	v62 =	vshrl.u32 v3, $0x3  }
0x31e: {  	v4 =	vmul.u32 $0x38, v62  }
0x31f: {  	v3 =	vand.u32 $0x7, v3  }
0x320: {  	v3 =	vor.u32 v3, v4  }
0x321: {  	v4 =	vperm.xlane v3, v0;
	_ =	sdelay $0x1  }
0x322: {  	v4 =	vadd.s32 v1, v4;
	_ =	sdelay $0x4  }
0x323: {  	[tilespmem:s10], [sflag:$0x4] =	stream.indirect_vreg.gather [hbm4b:s2+s3], $0x80, v4, vm0, $0xb8;
	[tilespmem:$0x1C200] =	vst v63  }
0x324: {  	s22 =	simm.s32 $0x15A00;
	v3 =	vperm.xlane v3, v2  }
0x325: {  	[tilespmem:s22], [sflag:$0x4] =	stream.indirect_vreg.gather [hbm4b:s5+s3], $0x80, v4, vm0, $0xb8;
	[tilespmem:$0x1C200] =	vst v63  }
0x326: {  	s28 =	simm.s32 $0x16200;
	v3 =	vadd.s32 v1, v3  }
0x327: {  	[tilespmem:s28], [sflag:$0x4] =	stream.indirect_vreg.gather [hbm4b:s6+s3], $0x80, v4, vm0, $0xb8;
	[tilespmem:$0x1C200] =	vst v63  }
0x328: {  	s15 =	simm.s32 $0x16A00  }
0x329: {  	[tilespmem:s15], [sflag:$0x4] =	stream.indirect_vreg.gather [hbm4b:s7+s3], $0x80, v4, vm1, $0xb8;
	[tilespmem:$0x1C200] =	vst v63  }
0x32a: {  	s23 =	simm.s32 $0x16E00  }
0x32b: {  	[tilespmem:s23], [sflag:$0x4] =	stream.indirect_vreg.gather [hbm4b:s2+s3], $0x80, v3, vm0, $0xb8;
	[tilespmem:$0x1C200] =	vst v63  }
0x32c: {  	s26 =	simm.s32 $0x17600  }
0x32d: {  	[tilespmem:s26], [sflag:$0x4] =	stream.indirect_vreg.gather [hbm4b:s5+s3], $0x80, v3, vm0, $0xb8;
	[tilespmem:$0x1C200] =	vst v63  }
0x32e: {  	s28 =	simm.s32 $0x17E00  }
0x32f: {  	[tilespmem:s28], [sflag:$0x4] =	stream.indirect_vreg.gather [hbm4b:s6+s3], $0x80, v3, vm0, $0xb8;
	[tilespmem:$0x1C200] =	vst v63  }
0x330: {  	s29 =	simm.s32 $0x18600  }
0x331: {  	[tilespmem:s29], [sflag:$0x4] =	stream.indirect_vreg.gather [hbm4b:s7+s3], $0x80, v3, vm1, $0xb8;
	[tilespmem:$0x1C200] =	vst v63  }
0x332: {  	v3 =	vld [tilespmem:$0x1F0];
	_ =	sdelay $0x4  }
0x333: {  	v63 =	vshrl.u32 v3, $0x3  }
0x334: {  	v4 =	vmul.u32 $0x38, v63  }
0x335: {  	v3 =	vand.u32 $0x7, v3  }
0x336: {  	v3 =	vor.u32 v3, v4  }
0x337: {  	v4 =	vperm.xlane v3, v0;
	_ =	sdelay $0x1  }
0x338: {  	v4 =	vadd.s32 v1, v4;
	_ =	sdelay $0x3  }
0x339: {  	s15 =	simm.s32 $0x18A00  }
0x33a: {  	[tilespmem:s15], [sflag:$0x4] =	stream.indirect_vreg.gather [hbm4b:s2+s3], $0x80, v4, vm0, $0xb8;
	[tilespmem:$0x1C200] =	vst v63  }
0x33b: {  	s16 =	simm.s32 $0x19200;
	v3 =	vperm.xlane v3, v2  }
0x33c: {  	[tilespmem:s16], [sflag:$0x4] =	stream.indirect_vreg.gather [hbm4b:s5+s3], $0x80, v4, vm0, $0xb8;
	[tilespmem:$0x1C200] =	vst v63  }
0x33d: {  	s17 =	simm.s32 $0x19A00;
	v3 =	vadd.s32 v1, v3  }
0x33e: {  	[tilespmem:s17], [sflag:$0x4] =	stream.indirect_vreg.gather [hbm4b:s6+s3], $0x80, v4, vm0, $0xb8;
	[tilespmem:$0x1C200] =	vst v63  }
0x33f: {  	s18 =	simm.s32 $0x1A200  }
0x340: {  	[tilespmem:s18], [sflag:$0x4] =	stream.indirect_vreg.gather [hbm4b:s7+s3], $0x80, v4, vm1, $0xb8;
	[tilespmem:$0x1C200] =	vst v63  }
0x341: {  	s19 =	simm.s32 $0x1A600  }
0x342: {  	[tilespmem:s19], [sflag:$0x4] =	stream.indirect_vreg.gather [hbm4b:s2+s3], $0x80, v3, vm0, $0xb8;
	[tilespmem:$0x1C200] =	vst v63  }
0x343: {  	s20 =	simm.s32 $0x1AE00  }
0x344: {  	[tilespmem:s20], [sflag:$0x4] =	stream.indirect_vreg.gather [hbm4b:s5+s3], $0x80, v3, vm0, $0xb8;
	[tilespmem:$0x1C200] =	vst v63  }
0x345: {  	s21 =	simm.s32 $0x1B600  }
0x346: {  	[tilespmem:s21], [sflag:$0x4] =	stream.indirect_vreg.gather [hbm4b:s6+s3], $0x80, v3, vm0, $0xb8;
	[tilespmem:$0x1C200] =	vst v63  }
0x347: {  	s22 =	simm.s32 $0x1BE00  }
0x348: {  	[tilespmem:s22], [sflag:$0x4] =	stream.indirect_vreg.gather [hbm4b:s7+s3], $0x80, v3, vm1, $0xb8;
	[tilespmem:$0x1C200] =	vst v63  }
0x349: {  	_ =	swait.ge [sflag:s30], $0x7000  }
0x34a: {  	[sflag:s30] =	ssyncset.done $0x0  }
0x34b: {  	s24 =	simm.s32 $0x200;
	s23 =	rddreg [dreg:$0x10];
	[sflag:s30] =	ssyncadd.s32 $0xFFFF9000  }
0x34c: {  	[hbm4b:s23+s3] =	stream.linear.scatter [tilespmem:s24], [sflag:$0x5], $0x7000, $0x38;
	[tilespmem:$0x1C200] =	vst v63  }
0x34d: {  	_ =	swait.ge [sflag:s1], $0x7000  }
0x34e: {  	[sflag:s1] =	ssyncset.done $0x0  }
0x34f: {  	s25 =	simm.s32 $0x7200;
	s26 =	rddreg [dreg:$0x11];
	[sflag:s1] =	ssyncadd.s32 $0xFFFF9000  }
0x350: {  	[hbm4b:s26+s3] =	stream.linear.scatter [tilespmem:s25], [sflag:$0x6], $0x7000, $0x38;
	[tilespmem:$0x1C200] =	vst v63  }
0x351: {  	_ =	swait.ge [sflag:s4], $0x7000  }
0x352: {  	[sflag:s4] =	ssyncset.done $0x0  }
0x353: {  	s11 =	simm.s32 $0xE200;
	s28 =	rddreg [dreg:$0x12];
	[sflag:s4] =	ssyncadd.s32 $0xFFFF9000  }
0x354: {  	[hbm4b:s28+s3] =	stream.linear.scatter [tilespmem:s11], [sflag:$0x7], $0x7000, $0x38;
	[tilespmem:$0x1C200] =	vst v63  }
0x355: {  	_ =	swait.ge [sflag:s12], $0x7000  }
0x356: {  	[sflag:s12] =	ssyncset.done $0x0  }
0x357: {  	s29 =	rddreg [dreg:$0x13];
	[sflag:s12] =	ssyncadd.s32 $0xFFFF9000  }
0x358: {  	[hbm4b:s29+s3] =	stream.linear.scatter [tilespmem:s10], [sflag:$0x8], $0x7000, $0x38;
	[tilespmem:$0x1C200] =	vst v63  }
0x359: {  	_ =	swait.ge [sflag:s31], $0x7000  }
0x35a: {  	[sflag:s31] =	ssyncset.done $0x0  }
0x35b: {  	[sflag:s31] =	ssyncadd.s32 $0xFFFF9000  }
0x35c: {  	_ =	swait.ge [sflag:s0], $0x7000  }
0x35d: {  	[sflag:s0] =	ssyncset.done $0x0  }
0x35e: {  	[sflag:s0] =	ssyncadd.s32 $0xFFFF9000  }
0x35f: {  	p0 =	sne.s32 s8, $0x1;
	_ =	swait.ge [sflag:s9], $0x7000  }
.Ltmp0:
0x360: {  	[sflag:s9] =	ssyncset.done $0x0;
	(pc) =	sbr.rel @p0 .LBB2_1-.Ltmp0, $4  }
0x361: {  	[sflag:s9] =	ssyncadd.s32 $0xFFFF9000  }
0x362: {  	_ =	swait.ge [sflag:s13], $0x7000  }
0x363: {  	[sflag:s13] =	ssyncset.done $0x0  }
0x364: {  	s8 =	sadd.s32 $0xFFFFFFFF, s8;
	[sflag:s13] =	ssyncadd.s32 $0xFFFF9000  }
0x365: {  	_ =	sfence.sel $0x180000  }
0x366: {  	[bflag:$0x0] =	sbarrier.arrive $0xFFFF  }
0x367: {  	_ =	strace $0x90000047  }
0x368: {  	s0 =	stileid.u32;
	[bflag:$0x2] =	sbarrier.arrive $0xFFFF  }
0x369: {  	p0 =	sne.s32 s0, $0x0;
	s0 =	rddreg [dreg:$0x3]  }
0x36a: {  	s0 =	sadd.s32 @!p0 $0x100000, s0  }
0x36b: {  	[sflag:s0] =	ssyncadd.tile.s32 @!p0 $0x1;
	_ =	shalt  }
.Lfunc_end2:
_tile_overlayer_lowered:
.L_overlay_start_2:
0x36c: {  	(tag) =	ssettag $0x2  }
0x36d: {  	s0 =	rddreg [dreg:$0x0];
	s2 =	stileid.u32  }
0x36e: {  	s1 =	rddreg [dreg:$0x1];
	p0 =	sne.s32 s2, $0x0  }
0x36f: {  	s3 =	rddreg [dreg:$0x2];
	[bflag:$0x3] =	sbarrier.arrive $0xFFFF;
	s2 =	simm.s32 @!p0 $0x1C09  }
0x370: {  	[timem:s3], [sflag:s2] =	dma.local @!p0 [hbm:s0], s1  }
0x371: {  	s0 =	simm.s32 @!p0 $0x9  }
0x372: {  	_ =	swait.ge @!p0 [sflag:s0], s1  }
0x373: {  	s1 =	ssub.s32 @!p0 $0x0, s1;
	[sflag:s0] =	ssyncset.done @!p0 $0x0  }
0x374: {  	[sflag:s0] =	ssyncadd.s32 @!p0 s1  }
0x375: {  	[bflag:$0x3] =	sbarrier.arrive $0xFFFF  }
0x376: {  	_ =	shalt  }

</sc_bundles>
